<compile_context>
chip_gen: v7x
topology: tpu7x:2x2x1
jax: 0.10.2.dev20260603
libtpu: 0.0.44.dev20260713+nightly
codegen_flags: <defaults>
</compile_context>

<pallas_src>
import functools

import jax
import jax.numpy as jnp
from jax import lax
from jax.experimental import pallas as pl
from jax.experimental.pallas import tpu as pltpu
from jax.experimental.pallas import tpu_sc as plsc

SEQ = 200
BATCH = 4096
EMB = 64
VOCAB = 1000000
OUT = 2
PW = 16
PACK = 128 // PW
LANES = 16
NC, NS = 2, 16
NW = NC * NS
BPW = BATCH // NW
GRP = 4
NGRP = 2
BK = 32768
SUB = BK // PACK
NBLK = (VOCAB + BK - 1) // BK
PROWS = NBLK * BK


def _tc_weights(W1, W2, Wf_pad, b1, b2, bf_pad):

    def body(w1_ref, w2_ref, wf_ref, b1_ref, b2_ref, bf_ref, wc_ref, bias_ref):
        h = jnp.dot(
            w1_ref[...] * (1.0 / SEQ), w2_ref[...],
            preferred_element_type=jnp.float32,
        )
        wc_ref[...] = jnp.dot(h, wf_ref[...], preferred_element_type=jnp.float32)
        hb = jnp.dot(b1_ref[...], w2_ref[...], preferred_element_type=jnp.float32)
        hb = hb + b2_ref[...]
        bias_ref[...] = (
            jnp.dot(hb, wf_ref[...], preferred_element_type=jnp.float32)
            + bf_ref[...]
        )

    return pl.pallas_call(
        body,
        out_shape=(
            jax.ShapeDtypeStruct((EMB, PW), jnp.float32),
            jax.ShapeDtypeStruct((1, PW), jnp.float32),
        ),
    )(W1, W2, Wf_pad, b1.reshape(1, -1), b2.reshape(1, -1), bf_pad)


def _tc_project(tableT, Wc):

    def body(x_ref, wc_ref, o_ref):
        pt = lax.dot_general(
            wc_ref[...], x_ref[...], (((0,), (0,)), ((), ())),
            preferred_element_type=jnp.float32,
        )
        v = jnp.concatenate(
            [pt[:, s * SUB:(s + 1) * SUB] for s in range(PACK)], axis=0
        )
        o_ref[...] = v.T

    return pl.pallas_call(
        body,
        grid=(NBLK,),
        in_specs=[
            pl.BlockSpec((EMB, BK), lambda i: (0, i)),
            pl.BlockSpec((EMB, PW), lambda i: (0, 0)),
        ],
        out_specs=pl.BlockSpec((SUB, 128), lambda i: (i, 0)),
        out_shape=jax.ShapeDtypeStruct((NBLK * SUB, 128), jnp.float32),
    )(tableT, Wc)


def _sc_prep_idx(text):

    mesh = plsc.VectorSubcoreMesh(core_axis_name="c", subcore_axis_name="s")

    @functools.partial(
        pl.kernel,
        mesh=mesh,
        out_type=jax.ShapeDtypeStruct((NW, SEQ, BPW), jnp.int32),
        scratch_types=[
            pltpu.VMEM((SEQ, BPW), jnp.int32),
        ],
        compiler_params=pltpu.CompilerParams(use_tc_tiling_on_sc=False),
    )
    def k(text_hbm, out_hbm, idx_v):
        wid = lax.axis_index("s") * NC + lax.axis_index("c")
        b0 = wid * BPW

        pltpu.sync_copy(text_hbm.at[:, pl.ds(b0, BPW)], idx_v)

        sh_s = SUB.bit_length() - 1
        sh_p = PACK.bit_length() - 1

        @plsc.parallel_loop(0, SEQ, unroll=4)
        def _(r):
            for c in range(BPW // LANES):
                sl = pl.ds(c * LANES, LANES)
                v = idx_v[r, sl]
                blk = jnp.bitwise_and(v, jnp.int32(-BK))
                rr = jnp.bitwise_and(v, jnp.int32(SUB - 1))
                ss = jnp.bitwise_and(
                    lax.shift_right_logical(v, jnp.int32(sh_s)),
                    jnp.int32(PACK - 1),
                )
                idx_v[r, sl] = blk + lax.shift_left(rr, jnp.int32(sh_p)) + ss

        pltpu.sync_copy(idx_v, out_hbm.at[wid])

    return k(text)


def _sc_gather_sum(idx2, ptable, bias):

    mesh = plsc.VectorSubcoreMesh(core_axis_name="c", subcore_axis_name="s")

    @functools.partial(
        pl.kernel,
        mesh=mesh,
        out_type=jax.ShapeDtypeStruct((BATCH, OUT), jnp.float32),
        scratch_types=[
            pltpu.VMEM((SEQ, BPW), jnp.int32),
            pltpu.VMEM((BPW, PW), jnp.float32),
            pltpu.VMEM((NGRP * GRP, BPW, PW), jnp.float32),
            pltpu.VMEM((1, PW), jnp.float32),
            pltpu.SemaphoreType.DMA,
            pltpu.SemaphoreType.DMA,
        ],
        compiler_params=pltpu.CompilerParams(use_tc_tiling_on_sc=False),
    )
    def k(idx_hbm, table_hbm, bias_hbm, out_hbm,
          idx_v, acc_v, rows_v, bias_v, sem0, sem1):
        wid = lax.axis_index("s") * NC + lax.axis_index("c")
        b0 = wid * BPW
        sems = (sem0, sem1)

        pltpu.sync_copy(idx_hbm.at[wid], idx_v)
        pltpu.sync_copy(bias_hbm, bias_v)

        zero16 = jnp.zeros((LANES,), jnp.float32)

        @plsc.parallel_loop(0, BPW, unroll=8)
        def _(r):
            acc_v[r, pl.ds(0, LANES)] = zero16

        def start_gather(s, buf, grp):
            pltpu.make_async_copy(
                table_hbm.at[idx_v.at[s]], rows_v.at[buf], sems[grp]
            ).start()

        def wait_group(grp):
            for j in range(GRP):
                pltpu.make_async_copy(
                    table_hbm.at[idx_v.at[0]], rows_v.at[grp * GRP + j], sems[grp]
                ).wait()

        def accumulate_group(grp):
            b = grp * GRP

            @plsc.parallel_loop(0, BPW, unroll=4)
            def _(r):
                sl = pl.ds(0, LANES)
                v01 = rows_v[b, r, sl] + rows_v[b + 1, r, sl]
                v23 = rows_v[b + 2, r, sl] + rows_v[b + 3, r, sl]
                plsc.addupdate(acc_v.at[r, sl], v01 + v23)

        for grp in range(NGRP):
            for j in range(GRP):
                start_gather(grp * GRP + j, grp * GRP + j, grp)

        STRIDE = NGRP * GRP

        def mbody(g, carry):
            for grp in range(NGRP):
                base = g * STRIDE + grp * GRP
                wait_group(grp)
                accumulate_group(grp)
                for j in range(GRP):
                    s = base + STRIDE + j

                    @pl.when(s < SEQ)
                    def _():
                        start_gather(s, grp * GRP + j, grp)

            return carry

        lax.fori_loop(0, SEQ // STRIDE, mbody, 0)

        if SEQ % STRIDE:
            wait_group(0)
            accumulate_group(0)

        bias = bias_v[0, pl.ds(0, LANES)]

        @plsc.parallel_loop(0, BPW, unroll=8)
        def _(r):
            sl = pl.ds(0, LANES)
            acc_v[r, sl] = acc_v[r, sl] + bias

        pltpu.sync_copy(acc_v.at[:, pl.ds(0, OUT)], out_hbm.at[pl.ds(b0, BPW)])

    return k(idx2, ptable, bias)


def kernel(text, emb_table, W1, b1, W2, b2, Wf, bf):
    Wf_pad = jnp.pad(Wf, ((0, 0), (0, PW - OUT)))
    bf_pad = jnp.pad(bf, (0, PW - OUT)).reshape(1, -1)
    Wc, bias = _tc_weights(W1, W2, Wf_pad, b1, b2, bf_pad)
    idx2 = _sc_prep_idx(text)
    packed = _tc_project(emb_table.T, Wc)
    return _sc_gather_sum(idx2, packed.reshape(PROWS, PW), bias)

# --- scband reference (transcript-rebuilt; emitter-appended) ---
"""Pipeline reference for scband-mlp-27041114096289 (READ-ONLY COPY).

The authoritative reference and input builder live on the scoring server;
editing this copy changes nothing except your own understanding.
"""

import jax, jax.numpy as jnp
import numpy as np

INPUT_DIM = 1000000
EMBED_DIM = 64
HIDDEN = [128, 64]
OUT_DIM = 2
SEQ_LEN = 200
BATCH = 4096


def setup_inputs(seed: int = 0) -> dict:
    key = jax.random.key(seed)
    ks = jax.random.split(key, 8)
    text = jax.random.randint(ks[0], (SEQ_LEN, BATCH), 0, INPUT_DIM, dtype=jnp.int32)
    emb_table = jax.random.normal(ks[1], (INPUT_DIM, EMBED_DIM), dtype=jnp.float32) * 0.02
    W1 = jax.random.normal(ks[2], (EMBED_DIM, HIDDEN[0]), dtype=jnp.float32) * (1.0 / np.sqrt(EMBED_DIM))
    b1 = jnp.zeros((HIDDEN[0],), dtype=jnp.float32)
    W2 = jax.random.normal(ks[3], (HIDDEN[0], HIDDEN[1]), dtype=jnp.float32) * (1.0 / np.sqrt(HIDDEN[0]))
    b2 = jnp.zeros((HIDDEN[1],), dtype=jnp.float32)
    Wf = jax.random.normal(ks[4], (HIDDEN[1], OUT_DIM), dtype=jnp.float32) * (1.0 / np.sqrt(HIDDEN[1]))
    bf = jnp.zeros((OUT_DIM,), dtype=jnp.float32)
    return {"text": text, "emb_table": emb_table, "W1": W1, "b1": b1, "W2": W2, "b2": b2, "Wf": Wf, "bf": bf}


def reference(text, emb_table, W1, b1, W2, b2, Wf, bf):
    # embedding lookup: [seq_len, batch] -> [seq_len, batch, embed_dim]
    embedded = jnp.take(emb_table, text, axis=0)
    # mean over the sequence (dim 0), matching torch.mean(embedded, 0)
    x = jnp.mean(embedded, axis=0)
    # fc layers (no activations, faithful to the original module)
    x = x @ W1 + b1
    x = x @ W2 + b2
    return x @ Wf + bf

if __name__ == "__main__":
    import jax
    _d = setup_inputs()
    print(jax.jit(kernel)(*tuple(_d.values())))

</pallas_src>

<mosaic_0001>
#map = affine_map<(d0, d1) -> (0, 0)>
#map1 = affine_map<(d0, d1) -> (0, 0, 0)>
module attributes {stable_mosaic.version = 14 : i64} {
  func.func @k(%arg0: i32, %arg1: i32, %arg2: memref<200x4096xi32, #tpu.memory_space<hbm>>, %arg3: memref<32x200x128xi32, #tpu.memory_space<hbm>>, %arg4: memref<200x128xi32, #tpu.memory_space<vmem>>) attributes {dimension_semantics = [#tpu.dimension_semantics<core_parallel>, #tpu.dimension_semantics<subcore_parallel>], iteration_bounds = array<i64: 2, 16>, scalar_prefetch = 0 : i64, scratch_operands = 1 : i64, tpu.core_type = #tpu.core_type<sc_vector_subcore>, window_params = [{transform_indices = #map}, {transform_indices = #map1}]} {
    %mul3A = arith.constant 2 : i32
    %mul3A_0 = arith.muli %arg1, %mul3A : i32
    %add3A = arith.addi %mul3A_0, %arg0 : i32
    %mul3A_1 = arith.constant 128 : i32
    %mul3A_2 = arith.muli %add3A, %mul3A_1 : i32
    "tpu.region"() ({
      %run_scoped3A = tpu.sem_alloc : memref<!tpu.dma_semaphore, #tpu.memory_space<semaphore_mem>>
      %dma_start3A = arith.constant 0 : i32
      %dma_start3A_5 = tpu.memref_slice %arg2[%dma_start3A, %mul3A_2] : memref<200x4096xi32, #tpu.memory_space<hbm>> -> memref<200x128xi32, #tpu.memory_space<hbm>>
      %dma_start3A_6 = arith.constant 0 : i32
      %dma_start3A_7 = tpu.memref_slice %arg2[%dma_start3A_6, %mul3A_2] : memref<200x4096xi32, #tpu.memory_space<hbm>> -> memref<200x128xi32, #tpu.memory_space<hbm>>
      tpu.enqueue_dma source(%dma_start3A_7 : memref<200x128xi32, #tpu.memory_space<hbm>>) target(%arg4 : memref<200x128xi32, #tpu.memory_space<vmem>>) target_semaphore(%run_scoped3A : memref<!tpu.dma_semaphore, #tpu.memory_space<semaphore_mem>>)
      %dma_wait3A = arith.constant 0 : i32
      %dma_wait3A_8 = tpu.memref_slice %arg2[%dma_wait3A, %mul3A_2] : memref<200x4096xi32, #tpu.memory_space<hbm>> -> memref<200x128xi32, #tpu.memory_space<hbm>>
      %dma_wait3A_9 = arith.constant 0 : i32
      %dma_wait3A_10 = tpu.memref_slice %arg2[%dma_wait3A_9, %mul3A_2] : memref<200x4096xi32, #tpu.memory_space<hbm>> -> memref<200x128xi32, #tpu.memory_space<hbm>>
      tpu.wait_dma2 semaphore(%run_scoped3A : memref<!tpu.dma_semaphore, #tpu.memory_space<semaphore_mem>>) src(%dma_wait3A_10 : memref<200x128xi32, #tpu.memory_space<hbm>>) dst(%arg4 : memref<200x128xi32, #tpu.memory_space<vmem>>)
      tpu.yield
    }) : () -> ()
    %parallel_loop3A = arith.constant 0 : i32
    %parallel_loop3A_3 = arith.constant 200 : i32
    %parallel_loop3A_4 = arith.constant 1 : i32
    scf.for %parallel_loop3A_5 = %parallel_loop3A to %parallel_loop3A_3 step %parallel_loop3A_4  : i32 {
      %parallel_loop3A_6 = arith.index_cast %parallel_loop3A_5 : i32 to index
      %parallel_loop3A_7 = arith.constant 0 : index
      %parallel_loop3A_8 = tpu.vector_load %arg4[%parallel_loop3A_6, %parallel_loop3A_7] {strides = array<i32>} : memref<200x128xi32, #tpu.memory_space<vmem>>, vector<1x16xi32>,
      %parallel_loop3A_9 = vector.shape_cast %parallel_loop3A_8 : vector<1x16xi32> to vector<16xi32>
      %parallel_loop3A_10 = arith.constant -32768 : i32
      %parallel_loop3A_11 = vector.broadcast %parallel_loop3A_10 : i32 to vector<16xi32>
      %parallel_loop3A_12 = arith.andi %parallel_loop3A_9, %parallel_loop3A_11 : vector<16xi32>
      %parallel_loop3A_13 = arith.constant 4095 : i32
      %parallel_loop3A_14 = vector.broadcast %parallel_loop3A_13 : i32 to vector<16xi32>
      %parallel_loop3A_15 = arith.andi %parallel_loop3A_9, %parallel_loop3A_14 : vector<16xi32>
      %parallel_loop3A_16 = arith.constant 12 : i32
      %parallel_loop3A_17 = vector.broadcast %parallel_loop3A_16 : i32 to vector<16xi32>
      %parallel_loop3A_18 = arith.shrui %parallel_loop3A_9, %parallel_loop3A_17 : vector<16xi32>
      %parallel_loop3A_19 = arith.constant 7 : i32
      %parallel_loop3A_20 = vector.broadcast %parallel_loop3A_19 : i32 to vector<16xi32>
      %parallel_loop3A_21 = arith.andi %parallel_loop3A_18, %parallel_loop3A_20 : vector<16xi32>
      %parallel_loop3A_22 = arith.constant 3 : i32
      %parallel_loop3A_23 = vector.broadcast %parallel_loop3A_22 : i32 to vector<16xi32>
      %parallel_loop3A_24 = arith.shli %parallel_loop3A_15, %parallel_loop3A_23 : vector<16xi32>
      %parallel_loop3A_25 = arith.addi %parallel_loop3A_12, %parallel_loop3A_24 : vector<16xi32>
      %parallel_loop3A_26 = arith.addi %parallel_loop3A_25, %parallel_loop3A_21 : vector<16xi32>
      %parallel_loop3A_27 = arith.index_cast %parallel_loop3A_5 : i32 to index
      %parallel_loop3A_28 = arith.constant 0 : index
      %parallel_loop3A_29 = tpu.vector_load %arg4[%parallel_loop3A_27, %parallel_loop3A_28] {strides = array<i32>} : memref<200x128xi32, #tpu.memory_space<vmem>>, vector<1x16xi32>,
      %parallel_loop3A_30 = vector.shape_cast %parallel_loop3A_29 : vector<1x16xi32> to vector<16xi32>
      %parallel_loop3A_31 = vector.shape_cast %parallel_loop3A_26 : vector<16xi32> to vector<1x16xi32>
      tpu.vector_store %arg4[%parallel_loop3A_27, %parallel_loop3A_28], %parallel_loop3A_31 {strides = array<i32>} : memref<200x128xi32, #tpu.memory_space<vmem>>, vector<1x16xi32>,
      %parallel_loop3A_32 = arith.index_cast %parallel_loop3A_5 : i32 to index
      %parallel_loop3A_33 = arith.constant 16 : index
      %parallel_loop3A_34 = tpu.vector_load %arg4[%parallel_loop3A_32, %parallel_loop3A_33] {strides = array<i32>} : memref<200x128xi32, #tpu.memory_space<vmem>>, vector<1x16xi32>,
      %parallel_loop3A_35 = vector.shape_cast %parallel_loop3A_34 : vector<1x16xi32> to vector<16xi32>
      %parallel_loop3A_36 = arith.constant -32768 : i32
      %parallel_loop3A_37 = vector.broadcast %parallel_loop3A_36 : i32 to vector<16xi32>
      %parallel_loop3A_38 = arith.andi %parallel_loop3A_35, %parallel_loop3A_37 : vector<16xi32>
      %parallel_loop3A_39 = arith.constant 4095 : i32
      %parallel_loop3A_40 = vector.broadcast %parallel_loop3A_39 : i32 to vector<16xi32>
      %parallel_loop3A_41 = arith.andi %parallel_loop3A_35, %parallel_loop3A_40 : vector<16xi32>
      %parallel_loop3A_42 = arith.constant 12 : i32
      %parallel_loop3A_43 = vector.broadcast %parallel_loop3A_42 : i32 to vector<16xi32>
      %parallel_loop3A_44 = arith.shrui %parallel_loop3A_35, %parallel_loop3A_43 : vector<16xi32>
      %parallel_loop3A_45 = arith.constant 7 : i32
      %parallel_loop3A_46 = vector.broadcast %parallel_loop3A_45 : i32 to vector<16xi32>
      %parallel_loop3A_47 = arith.andi %parallel_loop3A_44, %parallel_loop3A_46 : vector<16xi32>
      %parallel_loop3A_48 = arith.constant 3 : i32
      %parallel_loop3A_49 = vector.broadcast %parallel_loop3A_48 : i32 to vector<16xi32>
      %parallel_loop3A_50 = arith.shli %parallel_loop3A_41, %parallel_loop3A_49 : vector<16xi32>
      %parallel_loop3A_51 = arith.addi %parallel_loop3A_38, %parallel_loop3A_50 : vector<16xi32>
      %parallel_loop3A_52 = arith.addi %parallel_loop3A_51, %parallel_loop3A_47 : vector<16xi32>
      %parallel_loop3A_53 = arith.index_cast %parallel_loop3A_5 : i32 to index
      %parallel_loop3A_54 = arith.constant 16 : index
      %parallel_loop3A_55 = tpu.vector_load %arg4[%parallel_loop3A_53, %parallel_loop3A_54] {strides = array<i32>} : memref<200x128xi32, #tpu.memory_space<vmem>>, vector<1x16xi32>,
      %parallel_loop3A_56 = vector.shape_cast %parallel_loop3A_55 : vector<1x16xi32> to vector<16xi32>
      %parallel_loop3A_57 = vector.shape_cast %parallel_loop3A_52 : vector<16xi32> to vector<1x16xi32>
      tpu.vector_store %arg4[%parallel_loop3A_53, %parallel_loop3A_54], %parallel_loop3A_57 {strides = array<i32>} : memref<200x128xi32, #tpu.memory_space<vmem>>, vector<1x16xi32>,
      %parallel_loop3A_58 = arith.index_cast %parallel_loop3A_5 : i32 to index
      %parallel_loop3A_59 = arith.constant 32 : index
      %parallel_loop3A_60 = tpu.vector_load %arg4[%parallel_loop3A_58, %parallel_loop3A_59] {strides = array<i32>} : memref<200x128xi32, #tpu.memory_space<vmem>>, vector<1x16xi32>,
      %parallel_loop3A_61 = vector.shape_cast %parallel_loop3A_60 : vector<1x16xi32> to vector<16xi32>
      %parallel_loop3A_62 = arith.constant -32768 : i32
      %parallel_loop3A_63 = vector.broadcast %parallel_loop3A_62 : i32 to vector<16xi32>
      %parallel_loop3A_64 = arith.andi %parallel_loop3A_61, %parallel_loop3A_63 : vector<16xi32>
      %parallel_loop3A_65 = arith.constant 4095 : i32
      %parallel_loop3A_66 = vector.broadcast %parallel_loop3A_65 : i32 to vector<16xi32>
      %parallel_loop3A_67 = arith.andi %parallel_loop3A_61, %parallel_loop3A_66 : vector<16xi32>
      %parallel_loop3A_68 = arith.constant 12 : i32
      %parallel_loop3A_69 = vector.broadcast %parallel_loop3A_68 : i32 to vector<16xi32>
      %parallel_loop3A_70 = arith.shrui %parallel_loop3A_61, %parallel_loop3A_69 : vector<16xi32>
      %parallel_loop3A_71 = arith.constant 7 : i32
      %parallel_loop3A_72 = vector.broadcast %parallel_loop3A_71 : i32 to vector<16xi32>
      %parallel_loop3A_73 = arith.andi %parallel_loop3A_70, %parallel_loop3A_72 : vector<16xi32>
      %parallel_loop3A_74 = arith.constant 3 : i32
      %parallel_loop3A_75 = vector.broadcast %parallel_loop3A_74 : i32 to vector<16xi32>
      %parallel_loop3A_76 = arith.shli %parallel_loop3A_67, %parallel_loop3A_75 : vector<16xi32>
      %parallel_loop3A_77 = arith.addi %parallel_loop3A_64, %parallel_loop3A_76 : vector<16xi32>
      %parallel_loop3A_78 = arith.addi %parallel_loop3A_77, %parallel_loop3A_73 : vector<16xi32>
      %parallel_loop3A_79 = arith.index_cast %parallel_loop3A_5 : i32 to index
      %parallel_loop3A_80 = arith.constant 32 : index
      %parallel_loop3A_81 = tpu.vector_load %arg4[%parallel_loop3A_79, %parallel_loop3A_80] {strides = array<i32>} : memref<200x128xi32, #tpu.memory_space<vmem>>, vector<1x16xi32>,
      %parallel_loop3A_82 = vector.shape_cast %parallel_loop3A_81 : vector<1x16xi32> to vector<16xi32>
      %parallel_loop3A_83 = vector.shape_cast %parallel_loop3A_78 : vector<16xi32> to vector<1x16xi32>
      tpu.vector_store %arg4[%parallel_loop3A_79, %parallel_loop3A_80], %parallel_loop3A_83 {strides = array<i32>} : memref<200x128xi32, #tpu.memory_space<vmem>>, vector<1x16xi32>,
      %parallel_loop3A_84 = arith.index_cast %parallel_loop3A_5 : i32 to index
      %parallel_loop3A_85 = arith.constant 48 : index
      %parallel_loop3A_86 = tpu.vector_load %arg4[%parallel_loop3A_84, %parallel_loop3A_85] {strides = array<i32>} : memref<200x128xi32, #tpu.memory_space<vmem>>, vector<1x16xi32>,
      %parallel_loop3A_87 = vector.shape_cast %parallel_loop3A_86 : vector<1x16xi32> to vector<16xi32>
      %parallel_loop3A_88 = arith.constant -32768 : i32
      %parallel_loop3A_89 = vector.broadcast %parallel_loop3A_88 : i32 to vector<16xi32>
      %parallel_loop3A_90 = arith.andi %parallel_loop3A_87, %parallel_loop3A_89 : vector<16xi32>
      %parallel_loop3A_91 = arith.constant 4095 : i32
      %parallel_loop3A_92 = vector.broadcast %parallel_loop3A_91 : i32 to vector<16xi32>
      %parallel_loop3A_93 = arith.andi %parallel_loop3A_87, %parallel_loop3A_92 : vector<16xi32>
      %parallel_loop3A_94 = arith.constant 12 : i32
      %parallel_loop3A_95 = vector.broadcast %parallel_loop3A_94 : i32 to vector<16xi32>
      %parallel_loop3A_96 = arith.shrui %parallel_loop3A_87, %parallel_loop3A_95 : vector<16xi32>
      %parallel_loop3A_97 = arith.constant 7 : i32
      %parallel_loop3A_98 = vector.broadcast %parallel_loop3A_97 : i32 to vector<16xi32>
      %parallel_loop3A_99 = arith.andi %parallel_loop3A_96, %parallel_loop3A_98 : vector<16xi32>
      %parallel_loop3A_100 = arith.constant 3 : i32
      %parallel_loop3A_101 = vector.broadcast %parallel_loop3A_100 : i32 to vector<16xi32>
      %parallel_loop3A_102 = arith.shli %parallel_loop3A_93, %parallel_loop3A_101 : vector<16xi32>
      %parallel_loop3A_103 = arith.addi %parallel_loop3A_90, %parallel_loop3A_102 : vector<16xi32>
      %parallel_loop3A_104 = arith.addi %parallel_loop3A_103, %parallel_loop3A_99 : vector<16xi32>
      %parallel_loop3A_105 = arith.index_cast %parallel_loop3A_5 : i32 to index
      %parallel_loop3A_106 = arith.constant 48 : index
      %parallel_loop3A_107 = tpu.vector_load %arg4[%parallel_loop3A_105, %parallel_loop3A_106] {strides = array<i32>} : memref<200x128xi32, #tpu.memory_space<vmem>>, vector<1x16xi32>,
      %parallel_loop3A_108 = vector.shape_cast %parallel_loop3A_107 : vector<1x16xi32> to vector<16xi32>
      %parallel_loop3A_109 = vector.shape_cast %parallel_loop3A_104 : vector<16xi32> to vector<1x16xi32>
      tpu.vector_store %arg4[%parallel_loop3A_105, %parallel_loop3A_106], %parallel_loop3A_109 {strides = array<i32>} : memref<200x128xi32, #tpu.memory_space<vmem>>, vector<1x16xi32>,
      %parallel_loop3A_110 = arith.index_cast %parallel_loop3A_5 : i32 to index
      %parallel_loop3A_111 = arith.constant 64 : index
      %parallel_loop3A_112 = tpu.vector_load %arg4[%parallel_loop3A_110, %parallel_loop3A_111] {strides = array<i32>} : memref<200x128xi32, #tpu.memory_space<vmem>>, vector<1x16xi32>,
      %parallel_loop3A_113 = vector.shape_cast %parallel_loop3A_112 : vector<1x16xi32> to vector<16xi32>
      %parallel_loop3A_114 = arith.constant -32768 : i32
      %parallel_loop3A_115 = vector.broadcast %parallel_loop3A_114 : i32 to vector<16xi32>
      %parallel_loop3A_116 = arith.andi %parallel_loop3A_113, %parallel_loop3A_115 : vector<16xi32>
      %parallel_loop3A_117 = arith.constant 4095 : i32
      %parallel_loop3A_118 = vector.broadcast %parallel_loop3A_117 : i32 to vector<16xi32>
      %parallel_loop3A_119 = arith.andi %parallel_loop3A_113, %parallel_loop3A_118 : vector<16xi32>
      %parallel_loop3A_120 = arith.constant 12 : i32
      %parallel_loop3A_121 = vector.broadcast %parallel_loop3A_120 : i32 to vector<16xi32>
      %parallel_loop3A_122 = arith.shrui %parallel_loop3A_113, %parallel_loop3A_121 : vector<16xi32>
      %parallel_loop3A_123 = arith.constant 7 : i32
      %parallel_loop3A_124 = vector.broadcast %parallel_loop3A_123 : i32 to vector<16xi32>
      %parallel_loop3A_125 = arith.andi %parallel_loop3A_122, %parallel_loop3A_124 : vector<16xi32>
      %parallel_loop3A_126 = arith.constant 3 : i32
      %parallel_loop3A_127 = vector.broadcast %parallel_loop3A_126 : i32 to vector<16xi32>
      %parallel_loop3A_128 = arith.shli %parallel_loop3A_119, %parallel_loop3A_127 : vector<16xi32>
      %parallel_loop3A_129 = arith.addi %parallel_loop3A_116, %parallel_loop3A_128 : vector<16xi32>
      %parallel_loop3A_130 = arith.addi %parallel_loop3A_129, %parallel_loop3A_125 : vector<16xi32>
      %parallel_loop3A_131 = arith.index_cast %parallel_loop3A_5 : i32 to index
      %parallel_loop3A_132 = arith.constant 64 : index
      %parallel_loop3A_133 = tpu.vector_load %arg4[%parallel_loop3A_131, %parallel_loop3A_132] {strides = array<i32>} : memref<200x128xi32, #tpu.memory_space<vmem>>, vector<1x16xi32>,
      %parallel_loop3A_134 = vector.shape_cast %parallel_loop3A_133 : vector<1x16xi32> to vector<16xi32>
      %parallel_loop3A_135 = vector.shape_cast %parallel_loop3A_130 : vector<16xi32> to vector<1x16xi32>
      tpu.vector_store %arg4[%parallel_loop3A_131, %parallel_loop3A_132], %parallel_loop3A_135 {strides = array<i32>} : memref<200x128xi32, #tpu.memory_space<vmem>>, vector<1x16xi32>,
      %parallel_loop3A_136 = arith.index_cast %parallel_loop3A_5 : i32 to index
      %parallel_loop3A_137 = arith.constant 80 : index
      %parallel_loop3A_138 = tpu.vector_load %arg4[%parallel_loop3A_136, %parallel_loop3A_137] {strides = array<i32>} : memref<200x128xi32, #tpu.memory_space<vmem>>, vector<1x16xi32>,
      %parallel_loop3A_139 = vector.shape_cast %parallel_loop3A_138 : vector<1x16xi32> to vector<16xi32>
      %parallel_loop3A_140 = arith.constant -32768 : i32
      %parallel_loop3A_141 = vector.broadcast %parallel_loop3A_140 : i32 to vector<16xi32>
      %parallel_loop3A_142 = arith.andi %parallel_loop3A_139, %parallel_loop3A_141 : vector<16xi32>
      %parallel_loop3A_143 = arith.constant 4095 : i32
      %parallel_loop3A_144 = vector.broadcast %parallel_loop3A_143 : i32 to vector<16xi32>
      %parallel_loop3A_145 = arith.andi %parallel_loop3A_139, %parallel_loop3A_144 : vector<16xi32>
      %parallel_loop3A_146 = arith.constant 12 : i32
      %parallel_loop3A_147 = vector.broadcast %parallel_loop3A_146 : i32 to vector<16xi32>
      %parallel_loop3A_148 = arith.shrui %parallel_loop3A_139, %parallel_loop3A_147 : vector<16xi32>
      %parallel_loop3A_149 = arith.constant 7 : i32
      %parallel_loop3A_150 = vector.broadcast %parallel_loop3A_149 : i32 to vector<16xi32>
      %parallel_loop3A_151 = arith.andi %parallel_loop3A_148, %parallel_loop3A_150 : vector<16xi32>
      %parallel_loop3A_152 = arith.constant 3 : i32
      %parallel_loop3A_153 = vector.broadcast %parallel_loop3A_152 : i32 to vector<16xi32>
      %parallel_loop3A_154 = arith.shli %parallel_loop3A_145, %parallel_loop3A_153 : vector<16xi32>
      %parallel_loop3A_155 = arith.addi %parallel_loop3A_142, %parallel_loop3A_154 : vector<16xi32>
      %parallel_loop3A_156 = arith.addi %parallel_loop3A_155, %parallel_loop3A_151 : vector<16xi32>
      %parallel_loop3A_157 = arith.index_cast %parallel_loop3A_5 : i32 to index
      %parallel_loop3A_158 = arith.constant 80 : index
      %parallel_loop3A_159 = tpu.vector_load %arg4[%parallel_loop3A_157, %parallel_loop3A_158] {strides = array<i32>} : memref<200x128xi32, #tpu.memory_space<vmem>>, vector<1x16xi32>,
      %parallel_loop3A_160 = vector.shape_cast %parallel_loop3A_159 : vector<1x16xi32> to vector<16xi32>
      %parallel_loop3A_161 = vector.shape_cast %parallel_loop3A_156 : vector<16xi32> to vector<1x16xi32>
      tpu.vector_store %arg4[%parallel_loop3A_157, %parallel_loop3A_158], %parallel_loop3A_161 {strides = array<i32>} : memref<200x128xi32, #tpu.memory_space<vmem>>, vector<1x16xi32>,
      %parallel_loop3A_162 = arith.index_cast %parallel_loop3A_5 : i32 to index
      %parallel_loop3A_163 = arith.constant 96 : index
      %parallel_loop3A_164 = tpu.vector_load %arg4[%parallel_loop3A_162, %parallel_loop3A_163] {strides = array<i32>} : memref<200x128xi32, #tpu.memory_space<vmem>>, vector<1x16xi32>,
      %parallel_loop3A_165 = vector.shape_cast %parallel_loop3A_164 : vector<1x16xi32> to vector<16xi32>
      %parallel_loop3A_166 = arith.constant -32768 : i32
      %parallel_loop3A_167 = vector.broadcast %parallel_loop3A_166 : i32 to vector<16xi32>
      %parallel_loop3A_168 = arith.andi %parallel_loop3A_165, %parallel_loop3A_167 : vector<16xi32>
      %parallel_loop3A_169 = arith.constant 4095 : i32
      %parallel_loop3A_170 = vector.broadcast %parallel_loop3A_169 : i32 to vector<16xi32>
      %parallel_loop3A_171 = arith.andi %parallel_loop3A_165, %parallel_loop3A_170 : vector<16xi32>
      %parallel_loop3A_172 = arith.constant 12 : i32
      %parallel_loop3A_173 = vector.broadcast %parallel_loop3A_172 : i32 to vector<16xi32>
      %parallel_loop3A_174 = arith.shrui %parallel_loop3A_165, %parallel_loop3A_173 : vector<16xi32>
      %parallel_loop3A_175 = arith.constant 7 : i32
      %parallel_loop3A_176 = vector.broadcast %parallel_loop3A_175 : i32 to vector<16xi32>
      %parallel_loop3A_177 = arith.andi %parallel_loop3A_174, %parallel_loop3A_176 : vector<16xi32>
      %parallel_loop3A_178 = arith.constant 3 : i32
      %parallel_loop3A_179 = vector.broadcast %parallel_loop3A_178 : i32 to vector<16xi32>
      %parallel_loop3A_180 = arith.shli %parallel_loop3A_171, %parallel_loop3A_179 : vector<16xi32>
      %parallel_loop3A_181 = arith.addi %parallel_loop3A_168, %parallel_loop3A_180 : vector<16xi32>
      %parallel_loop3A_182 = arith.addi %parallel_loop3A_181, %parallel_loop3A_177 : vector<16xi32>
      %parallel_loop3A_183 = arith.index_cast %parallel_loop3A_5 : i32 to index
      %parallel_loop3A_184 = arith.constant 96 : index
      %parallel_loop3A_185 = tpu.vector_load %arg4[%parallel_loop3A_183, %parallel_loop3A_184] {strides = array<i32>} : memref<200x128xi32, #tpu.memory_space<vmem>>, vector<1x16xi32>,
      %parallel_loop3A_186 = vector.shape_cast %parallel_loop3A_185 : vector<1x16xi32> to vector<16xi32>
      %parallel_loop3A_187 = vector.shape_cast %parallel_loop3A_182 : vector<16xi32> to vector<1x16xi32>
      tpu.vector_store %arg4[%parallel_loop3A_183, %parallel_loop3A_184], %parallel_loop3A_187 {strides = array<i32>} : memref<200x128xi32, #tpu.memory_space<vmem>>, vector<1x16xi32>,
      %parallel_loop3A_188 = arith.index_cast %parallel_loop3A_5 : i32 to index
      %parallel_loop3A_189 = arith.constant 112 : index
      %parallel_loop3A_190 = tpu.vector_load %arg4[%parallel_loop3A_188, %parallel_loop3A_189] {strides = array<i32>} : memref<200x128xi32, #tpu.memory_space<vmem>>, vector<1x16xi32>,
      %parallel_loop3A_191 = vector.shape_cast %parallel_loop3A_190 : vector<1x16xi32> to vector<16xi32>
      %parallel_loop3A_192 = arith.constant -32768 : i32
      %parallel_loop3A_193 = vector.broadcast %parallel_loop3A_192 : i32 to vector<16xi32>
      %parallel_loop3A_194 = arith.andi %parallel_loop3A_191, %parallel_loop3A_193 : vector<16xi32>
      %parallel_loop3A_195 = arith.constant 4095 : i32
      %parallel_loop3A_196 = vector.broadcast %parallel_loop3A_195 : i32 to vector<16xi32>
      %parallel_loop3A_197 = arith.andi %parallel_loop3A_191, %parallel_loop3A_196 : vector<16xi32>
      %parallel_loop3A_198 = arith.constant 12 : i32
      %parallel_loop3A_199 = vector.broadcast %parallel_loop3A_198 : i32 to vector<16xi32>
      %parallel_loop3A_200 = arith.shrui %parallel_loop3A_191, %parallel_loop3A_199 : vector<16xi32>
      %parallel_loop3A_201 = arith.constant 7 : i32
      %parallel_loop3A_202 = vector.broadcast %parallel_loop3A_201 : i32 to vector<16xi32>
      %parallel_loop3A_203 = arith.andi %parallel_loop3A_200, %parallel_loop3A_202 : vector<16xi32>
      %parallel_loop3A_204 = arith.constant 3 : i32
      %parallel_loop3A_205 = vector.broadcast %parallel_loop3A_204 : i32 to vector<16xi32>
      %parallel_loop3A_206 = arith.shli %parallel_loop3A_197, %parallel_loop3A_205 : vector<16xi32>
      %parallel_loop3A_207 = arith.addi %parallel_loop3A_194, %parallel_loop3A_206 : vector<16xi32>
      %parallel_loop3A_208 = arith.addi %parallel_loop3A_207, %parallel_loop3A_203 : vector<16xi32>
      %parallel_loop3A_209 = arith.index_cast %parallel_loop3A_5 : i32 to index
      %parallel_loop3A_210 = arith.constant 112 : index
      %parallel_loop3A_211 = tpu.vector_load %arg4[%parallel_loop3A_209, %parallel_loop3A_210] {strides = array<i32>} : memref<200x128xi32, #tpu.memory_space<vmem>>, vector<1x16xi32>,
      %parallel_loop3A_212 = vector.shape_cast %parallel_loop3A_211 : vector<1x16xi32> to vector<16xi32>
      %parallel_loop3A_213 = vector.shape_cast %parallel_loop3A_208 : vector<16xi32> to vector<1x16xi32>
      tpu.vector_store %arg4[%parallel_loop3A_209, %parallel_loop3A_210], %parallel_loop3A_213 {strides = array<i32>} : memref<200x128xi32, #tpu.memory_space<vmem>>, vector<1x16xi32>,
    } {sc.loop_unroll_factor = 4 : i64, sc.parallel_access}
    "tpu.region"() ({
      %run_scoped3A = tpu.sem_alloc : memref<!tpu.dma_semaphore, #tpu.memory_space<semaphore_mem>>
      %dma_start3A = arith.constant 0 : i32
      %dma_start3A_5 = arith.constant 0 : i32
      %dma_start3A_6 = tpu.memref_slice %arg3[%add3A, %dma_start3A, %dma_start3A_5] : memref<32x200x128xi32, #tpu.memory_space<hbm>> -> memref<1x200x128xi32, #tpu.memory_space<hbm>>
      %dma_start3A_7 = tpu.memref_squeeze %dma_start3A_6 : memref<1x200x128xi32, #tpu.memory_space<hbm>> -> memref<200x128xi32, #tpu.memory_space<hbm>>
      %dma_start3A_8 = arith.constant 0 : i32
      %dma_start3A_9 = arith.constant 0 : i32
      %dma_start3A_10 = tpu.memref_slice %arg3[%add3A, %dma_start3A_8, %dma_start3A_9] : memref<32x200x128xi32, #tpu.memory_space<hbm>> -> memref<1x200x128xi32, #tpu.memory_space<hbm>>
      %dma_start3A_11 = tpu.memref_squeeze %dma_start3A_10 : memref<1x200x128xi32, #tpu.memory_space<hbm>> -> memref<200x128xi32, #tpu.memory_space<hbm>>
      tpu.enqueue_dma source(%arg4 : memref<200x128xi32, #tpu.memory_space<vmem>>) target(%dma_start3A_11 : memref<200x128xi32, #tpu.memory_space<hbm>>) target_semaphore(%run_scoped3A : memref<!tpu.dma_semaphore, #tpu.memory_space<semaphore_mem>>)
      %dma_wait3A = arith.constant 0 : i32
      %dma_wait3A_12 = arith.constant 0 : i32
      %dma_wait3A_13 = tpu.memref_slice %arg3[%add3A, %dma_wait3A, %dma_wait3A_12] : memref<32x200x128xi32, #tpu.memory_space<hbm>> -> memref<1x200x128xi32, #tpu.memory_space<hbm>>
      %dma_wait3A_14 = tpu.memref_squeeze %dma_wait3A_13 : memref<1x200x128xi32, #tpu.memory_space<hbm>> -> memref<200x128xi32, #tpu.memory_space<hbm>>
      %dma_wait3A_15 = arith.constant 0 : i32
      %dma_wait3A_16 = arith.constant 0 : i32
      %dma_wait3A_17 = tpu.memref_slice %arg3[%add3A, %dma_wait3A_15, %dma_wait3A_16] : memref<32x200x128xi32, #tpu.memory_space<hbm>> -> memref<1x200x128xi32, #tpu.memory_space<hbm>>
      %dma_wait3A_18 = tpu.memref_squeeze %dma_wait3A_17 : memref<1x200x128xi32, #tpu.memory_space<hbm>> -> memref<200x128xi32, #tpu.memory_space<hbm>>
      tpu.wait_dma2 semaphore(%run_scoped3A : memref<!tpu.dma_semaphore, #tpu.memory_space<semaphore_mem>>) src(%arg4 : memref<200x128xi32, #tpu.memory_space<vmem>>) dst(%dma_wait3A_18 : memref<200x128xi32, #tpu.memory_space<hbm>>)
      tpu.yield
    }) : () -> ()
    return
  }
}

#map = affine_map<(d0, d1) -> (0, 0, 0)>
#map1 = affine_map<(d0, d1) -> (0, 0)>
module attributes {stable_mosaic.version = 14 : i64} {
  func.func @k(%arg0: i32, %arg1: i32, %arg2: memref<32x200x128xi32, #tpu.memory_space<hbm>>, %arg3: memref<1015808x16xf32, #tpu.memory_space<hbm>>, %arg4: memref<1x16xf32, #tpu.memory_space<hbm>>, %arg5: memref<4096x2xf32, #tpu.memory_space<hbm>>, %arg6: memref<200x128xi32, #tpu.memory_space<vmem>>, %arg7: memref<128x16xf32, #tpu.memory_space<vmem>>, %arg8: memref<8x128x16xf32, #tpu.memory_space<vmem>>, %arg9: memref<1x16xf32, #tpu.memory_space<vmem>>, %arg10: memref<!tpu.dma_semaphore, #tpu.memory_space<semaphore_mem>>, %arg11: memref<!tpu.dma_semaphore, #tpu.memory_space<semaphore_mem>>) attributes {dimension_semantics = [#tpu.dimension_semantics<core_parallel>, #tpu.dimension_semantics<subcore_parallel>], iteration_bounds = array<i64: 2, 16>, scalar_prefetch = 0 : i64, scratch_operands = 6 : i64, tpu.core_type = #tpu.core_type<sc_vector_subcore>, window_params = [{transform_indices = #map}, {transform_indices = #map1}, {transform_indices = #map1}, {transform_indices = #map1}]} {
    %mul3A = arith.constant 2 : i32
    %mul3A_0 = arith.muli %arg1, %mul3A : i32
    %add3A = arith.addi %mul3A_0, %arg0 : i32
    %mul3A_1 = arith.constant 128 : i32
    %mul3A_2 = arith.muli %add3A, %mul3A_1 : i32
    "tpu.region"() ({
      %run_scoped3A = tpu.sem_alloc : memref<!tpu.dma_semaphore, #tpu.memory_space<semaphore_mem>>
      %dma_start3A_113 = arith.constant 0 : i32
      %dma_start3A_114 = arith.constant 0 : i32
      %dma_start3A_115 = tpu.memref_slice %arg2[%add3A, %dma_start3A_113, %dma_start3A_114] : memref<32x200x128xi32, #tpu.memory_space<hbm>> -> memref<1x200x128xi32, #tpu.memory_space<hbm>>
      %dma_start3A_116 = tpu.memref_squeeze %dma_start3A_115 : memref<1x200x128xi32, #tpu.memory_space<hbm>> -> memref<200x128xi32, #tpu.memory_space<hbm>>
      %dma_start3A_117 = arith.constant 0 : i32
      %dma_start3A_118 = arith.constant 0 : i32
      %dma_start3A_119 = tpu.memref_slice %arg2[%add3A, %dma_start3A_117, %dma_start3A_118] : memref<32x200x128xi32, #tpu.memory_space<hbm>> -> memref<1x200x128xi32, #tpu.memory_space<hbm>>
      %dma_start3A_120 = tpu.memref_squeeze %dma_start3A_119 : memref<1x200x128xi32, #tpu.memory_space<hbm>> -> memref<200x128xi32, #tpu.memory_space<hbm>>
      tpu.enqueue_dma source(%dma_start3A_120 : memref<200x128xi32, #tpu.memory_space<hbm>>) target(%arg6 : memref<200x128xi32, #tpu.memory_space<vmem>>) target_semaphore(%run_scoped3A : memref<!tpu.dma_semaphore, #tpu.memory_space<semaphore_mem>>)
      %dma_wait3A = arith.constant 0 : i32
      %dma_wait3A_121 = arith.constant 0 : i32
      %dma_wait3A_122 = tpu.memref_slice %arg2[%add3A, %dma_wait3A, %dma_wait3A_121] : memref<32x200x128xi32, #tpu.memory_space<hbm>> -> memref<1x200x128xi32, #tpu.memory_space<hbm>>
      %dma_wait3A_123 = tpu.memref_squeeze %dma_wait3A_122 : memref<1x200x128xi32, #tpu.memory_space<hbm>> -> memref<200x128xi32, #tpu.memory_space<hbm>>
      %dma_wait3A_124 = arith.constant 0 : i32
      %dma_wait3A_125 = arith.constant 0 : i32
      %dma_wait3A_126 = tpu.memref_slice %arg2[%add3A, %dma_wait3A_124, %dma_wait3A_125] : memref<32x200x128xi32, #tpu.memory_space<hbm>> -> memref<1x200x128xi32, #tpu.memory_space<hbm>>
      %dma_wait3A_127 = tpu.memref_squeeze %dma_wait3A_126 : memref<1x200x128xi32, #tpu.memory_space<hbm>> -> memref<200x128xi32, #tpu.memory_space<hbm>>
      tpu.wait_dma2 semaphore(%run_scoped3A : memref<!tpu.dma_semaphore, #tpu.memory_space<semaphore_mem>>) src(%dma_wait3A_127 : memref<200x128xi32, #tpu.memory_space<hbm>>) dst(%arg6 : memref<200x128xi32, #tpu.memory_space<vmem>>)
      tpu.yield
    }) : () -> ()
    "tpu.region"() ({
      %run_scoped3A = tpu.sem_alloc : memref<!tpu.dma_semaphore, #tpu.memory_space<semaphore_mem>>
      tpu.enqueue_dma source(%arg4 : memref<1x16xf32, #tpu.memory_space<hbm>>) target(%arg9 : memref<1x16xf32, #tpu.memory_space<vmem>>) target_semaphore(%run_scoped3A : memref<!tpu.dma_semaphore, #tpu.memory_space<semaphore_mem>>)
      tpu.wait_dma2 semaphore(%run_scoped3A : memref<!tpu.dma_semaphore, #tpu.memory_space<semaphore_mem>>) src(%arg4 : memref<1x16xf32, #tpu.memory_space<hbm>>) dst(%arg9 : memref<1x16xf32, #tpu.memory_space<vmem>>)
      tpu.yield
    }) : () -> ()
    %broadcast_in_dim3A = arith.constant 0.000000e+00 : f32
    %broadcast_in_dim3A_3 = vector.broadcast %broadcast_in_dim3A : f32 to vector<16xf32>
    %parallel_loop3A = arith.constant 0 : i32
    %parallel_loop3A_4 = arith.constant 128 : i32
    %parallel_loop3A_5 = arith.constant 1 : i32
    scf.for %parallel_loop3A_113 = %parallel_loop3A to %parallel_loop3A_4 step %parallel_loop3A_5  : i32 {
      %parallel_loop3A_114 = arith.index_cast %parallel_loop3A_113 : i32 to index
      %parallel_loop3A_115 = arith.constant 0 : index
      %parallel_loop3A_116 = tpu.vector_load %arg7[%parallel_loop3A_114, %parallel_loop3A_115] {strides = array<i32>} : memref<128x16xf32, #tpu.memory_space<vmem>>, vector<1x16xf32>,
      %parallel_loop3A_117 = vector.shape_cast %parallel_loop3A_116 : vector<1x16xf32> to vector<16xf32>
      %parallel_loop3A_118 = vector.shape_cast %broadcast_in_dim3A_3 : vector<16xf32> to vector<1x16xf32>
      tpu.vector_store %arg7[%parallel_loop3A_114, %parallel_loop3A_115], %parallel_loop3A_118 {strides = array<i32>} : memref<128x16xf32, #tpu.memory_space<vmem>>, vector<1x16xf32>,
    } {sc.loop_unroll_factor = 8 : i64, sc.parallel_access}
    %dma_start3A = arith.constant 0 : i32
    %dma_start3A_6 = arith.constant 0 : i32
    %dma_start3A_7 = arith.constant 0 : i32
    %dma_start3A_8 = arith.constant 0 : i32
    %dma_start3A_9 = tpu.memref_slice %arg8[%dma_start3A_6, %dma_start3A_7, %dma_start3A_8] : memref<8x128x16xf32, #tpu.memory_space<vmem>> -> memref<1x128x16xf32, #tpu.memory_space<vmem>>
    %dma_start3A_10 = tpu.memref_squeeze %dma_start3A_9 : memref<1x128x16xf32, #tpu.memory_space<vmem>> -> memref<128x16xf32, #tpu.memory_space<vmem>>
    %dma_start3A_11 = arith.constant 0 : i32
    %dma_start3A_12 = tpu.memref_slice %arg6[%dma_start3A, %dma_start3A_11] : memref<200x128xi32, #tpu.memory_space<vmem>> -> memref<1x128xi32, #tpu.memory_space<vmem>>
    %dma_start3A_13 = tpu.memref_squeeze %dma_start3A_12 : memref<1x128xi32, #tpu.memory_space<vmem>> -> memref<128xi32, #tpu.memory_space<vmem>>
    %dma_start3A_14 = arith.constant 0 : i32
    %dma_start3A_15 = arith.constant 0 : i32
    %dma_start3A_16 = tpu.memref_slice %arg3[%dma_start3A_14, %dma_start3A_15] : memref<1015808x16xf32, #tpu.memory_space<hbm>> -> memref<1015808x16xf32, #tpu.memory_space<hbm>>
    tpu.enqueue_indirect_dma source(%dma_start3A_16 : memref<1015808x16xf32, #tpu.memory_space<hbm>>) target(%dma_start3A_10 : memref<128x16xf32, #tpu.memory_space<vmem>>) offsets(%dma_start3A_13 : memref<128xi32, #tpu.memory_space<vmem>>) semaphore(%arg10 : memref<!tpu.dma_semaphore, #tpu.memory_space<semaphore_mem>>)
    %dma_start3A_17 = arith.constant 1 : i32
    %dma_start3A_18 = arith.constant 1 : i32
    %dma_start3A_19 = arith.constant 0 : i32
    %dma_start3A_20 = arith.constant 0 : i32
    %dma_start3A_21 = tpu.memref_slice %arg8[%dma_start3A_18, %dma_start3A_19, %dma_start3A_20] : memref<8x128x16xf32, #tpu.memory_space<vmem>> -> memref<1x128x16xf32, #tpu.memory_space<vmem>>
    %dma_start3A_22 = tpu.memref_squeeze %dma_start3A_21 : memref<1x128x16xf32, #tpu.memory_space<vmem>> -> memref<128x16xf32, #tpu.memory_space<vmem>>
    %dma_start3A_23 = arith.constant 0 : i32
    %dma_start3A_24 = tpu.memref_slice %arg6[%dma_start3A_17, %dma_start3A_23] : memref<200x128xi32, #tpu.memory_space<vmem>> -> memref<1x128xi32, #tpu.memory_space<vmem>>
    %dma_start3A_25 = tpu.memref_squeeze %dma_start3A_24 : memref<1x128xi32, #tpu.memory_space<vmem>> -> memref<128xi32, #tpu.memory_space<vmem>>
    %dma_start3A_26 = arith.constant 0 : i32
    %dma_start3A_27 = arith.constant 0 : i32
    %dma_start3A_28 = tpu.memref_slice %arg3[%dma_start3A_26, %dma_start3A_27] : memref<1015808x16xf32, #tpu.memory_space<hbm>> -> memref<1015808x16xf32, #tpu.memory_space<hbm>>
    tpu.enqueue_indirect_dma source(%dma_start3A_28 : memref<1015808x16xf32, #tpu.memory_space<hbm>>) target(%dma_start3A_22 : memref<128x16xf32, #tpu.memory_space<vmem>>) offsets(%dma_start3A_25 : memref<128xi32, #tpu.memory_space<vmem>>) semaphore(%arg10 : memref<!tpu.dma_semaphore, #tpu.memory_space<semaphore_mem>>)
    %dma_start3A_29 = arith.constant 2 : i32
    %dma_start3A_30 = arith.constant 2 : i32
    %dma_start3A_31 = arith.constant 0 : i32
    %dma_start3A_32 = arith.constant 0 : i32
    %dma_start3A_33 = tpu.memref_slice %arg8[%dma_start3A_30, %dma_start3A_31, %dma_start3A_32] : memref<8x128x16xf32, #tpu.memory_space<vmem>> -> memref<1x128x16xf32, #tpu.memory_space<vmem>>
    %dma_start3A_34 = tpu.memref_squeeze %dma_start3A_33 : memref<1x128x16xf32, #tpu.memory_space<vmem>> -> memref<128x16xf32, #tpu.memory_space<vmem>>
    %dma_start3A_35 = arith.constant 0 : i32
    %dma_start3A_36 = tpu.memref_slice %arg6[%dma_start3A_29, %dma_start3A_35] : memref<200x128xi32, #tpu.memory_space<vmem>> -> memref<1x128xi32, #tpu.memory_space<vmem>>
    %dma_start3A_37 = tpu.memref_squeeze %dma_start3A_36 : memref<1x128xi32, #tpu.memory_space<vmem>> -> memref<128xi32, #tpu.memory_space<vmem>>
    %dma_start3A_38 = arith.constant 0 : i32
    %dma_start3A_39 = arith.constant 0 : i32
    %dma_start3A_40 = tpu.memref_slice %arg3[%dma_start3A_38, %dma_start3A_39] : memref<1015808x16xf32, #tpu.memory_space<hbm>> -> memref<1015808x16xf32, #tpu.memory_space<hbm>>
    tpu.enqueue_indirect_dma source(%dma_start3A_40 : memref<1015808x16xf32, #tpu.memory_space<hbm>>) target(%dma_start3A_34 : memref<128x16xf32, #tpu.memory_space<vmem>>) offsets(%dma_start3A_37 : memref<128xi32, #tpu.memory_space<vmem>>) semaphore(%arg10 : memref<!tpu.dma_semaphore, #tpu.memory_space<semaphore_mem>>)
    %dma_start3A_41 = arith.constant 3 : i32
    %dma_start3A_42 = arith.constant 3 : i32
    %dma_start3A_43 = arith.constant 0 : i32
    %dma_start3A_44 = arith.constant 0 : i32
    %dma_start3A_45 = tpu.memref_slice %arg8[%dma_start3A_42, %dma_start3A_43, %dma_start3A_44] : memref<8x128x16xf32, #tpu.memory_space<vmem>> -> memref<1x128x16xf32, #tpu.memory_space<vmem>>
    %dma_start3A_46 = tpu.memref_squeeze %dma_start3A_45 : memref<1x128x16xf32, #tpu.memory_space<vmem>> -> memref<128x16xf32, #tpu.memory_space<vmem>>
    %dma_start3A_47 = arith.constant 0 : i32
    %dma_start3A_48 = tpu.memref_slice %arg6[%dma_start3A_41, %dma_start3A_47] : memref<200x128xi32, #tpu.memory_space<vmem>> -> memref<1x128xi32, #tpu.memory_space<vmem>>
    %dma_start3A_49 = tpu.memref_squeeze %dma_start3A_48 : memref<1x128xi32, #tpu.memory_space<vmem>> -> memref<128xi32, #tpu.memory_space<vmem>>
    %dma_start3A_50 = arith.constant 0 : i32
    %dma_start3A_51 = arith.constant 0 : i32
    %dma_start3A_52 = tpu.memref_slice %arg3[%dma_start3A_50, %dma_start3A_51] : memref<1015808x16xf32, #tpu.memory_space<hbm>> -> memref<1015808x16xf32, #tpu.memory_space<hbm>>
    tpu.enqueue_indirect_dma source(%dma_start3A_52 : memref<1015808x16xf32, #tpu.memory_space<hbm>>) target(%dma_start3A_46 : memref<128x16xf32, #tpu.memory_space<vmem>>) offsets(%dma_start3A_49 : memref<128xi32, #tpu.memory_space<vmem>>) semaphore(%arg10 : memref<!tpu.dma_semaphore, #tpu.memory_space<semaphore_mem>>)
    %dma_start3A_53 = arith.constant 4 : i32
    %dma_start3A_54 = arith.constant 4 : i32
    %dma_start3A_55 = arith.constant 0 : i32
    %dma_start3A_56 = arith.constant 0 : i32
    %dma_start3A_57 = tpu.memref_slice %arg8[%dma_start3A_54, %dma_start3A_55, %dma_start3A_56] : memref<8x128x16xf32, #tpu.memory_space<vmem>> -> memref<1x128x16xf32, #tpu.memory_space<vmem>>
    %dma_start3A_58 = tpu.memref_squeeze %dma_start3A_57 : memref<1x128x16xf32, #tpu.memory_space<vmem>> -> memref<128x16xf32, #tpu.memory_space<vmem>>
    %dma_start3A_59 = arith.constant 0 : i32
    %dma_start3A_60 = tpu.memref_slice %arg6[%dma_start3A_53, %dma_start3A_59] : memref<200x128xi32, #tpu.memory_space<vmem>> -> memref<1x128xi32, #tpu.memory_space<vmem>>
    %dma_start3A_61 = tpu.memref_squeeze %dma_start3A_60 : memref<1x128xi32, #tpu.memory_space<vmem>> -> memref<128xi32, #tpu.memory_space<vmem>>
    %dma_start3A_62 = arith.constant 0 : i32
    %dma_start3A_63 = arith.constant 0 : i32
    %dma_start3A_64 = tpu.memref_slice %arg3[%dma_start3A_62, %dma_start3A_63] : memref<1015808x16xf32, #tpu.memory_space<hbm>> -> memref<1015808x16xf32, #tpu.memory_space<hbm>>
    tpu.enqueue_indirect_dma source(%dma_start3A_64 : memref<1015808x16xf32, #tpu.memory_space<hbm>>) target(%dma_start3A_58 : memref<128x16xf32, #tpu.memory_space<vmem>>) offsets(%dma_start3A_61 : memref<128xi32, #tpu.memory_space<vmem>>) semaphore(%arg11 : memref<!tpu.dma_semaphore, #tpu.memory_space<semaphore_mem>>)
    %dma_start3A_65 = arith.constant 5 : i32
    %dma_start3A_66 = arith.constant 5 : i32
    %dma_start3A_67 = arith.constant 0 : i32
    %dma_start3A_68 = arith.constant 0 : i32
    %dma_start3A_69 = tpu.memref_slice %arg8[%dma_start3A_66, %dma_start3A_67, %dma_start3A_68] : memref<8x128x16xf32, #tpu.memory_space<vmem>> -> memref<1x128x16xf32, #tpu.memory_space<vmem>>
    %dma_start3A_70 = tpu.memref_squeeze %dma_start3A_69 : memref<1x128x16xf32, #tpu.memory_space<vmem>> -> memref<128x16xf32, #tpu.memory_space<vmem>>
    %dma_start3A_71 = arith.constant 0 : i32
    %dma_start3A_72 = tpu.memref_slice %arg6[%dma_start3A_65, %dma_start3A_71] : memref<200x128xi32, #tpu.memory_space<vmem>> -> memref<1x128xi32, #tpu.memory_space<vmem>>
    %dma_start3A_73 = tpu.memref_squeeze %dma_start3A_72 : memref<1x128xi32, #tpu.memory_space<vmem>> -> memref<128xi32, #tpu.memory_space<vmem>>
    %dma_start3A_74 = arith.constant 0 : i32
    %dma_start3A_75 = arith.constant 0 : i32
    %dma_start3A_76 = tpu.memref_slice %arg3[%dma_start3A_74, %dma_start3A_75] : memref<1015808x16xf32, #tpu.memory_space<hbm>> -> memref<1015808x16xf32, #tpu.memory_space<hbm>>
    tpu.enqueue_indirect_dma source(%dma_start3A_76 : memref<1015808x16xf32, #tpu.memory_space<hbm>>) target(%dma_start3A_70 : memref<128x16xf32, #tpu.memory_space<vmem>>) offsets(%dma_start3A_73 : memref<128xi32, #tpu.memory_space<vmem>>) semaphore(%arg11 : memref<!tpu.dma_semaphore, #tpu.memory_space<semaphore_mem>>)
    %dma_start3A_77 = arith.constant 6 : i32
    %dma_start3A_78 = arith.constant 6 : i32
    %dma_start3A_79 = arith.constant 0 : i32
    %dma_start3A_80 = arith.constant 0 : i32
    %dma_start3A_81 = tpu.memref_slice %arg8[%dma_start3A_78, %dma_start3A_79, %dma_start3A_80] : memref<8x128x16xf32, #tpu.memory_space<vmem>> -> memref<1x128x16xf32, #tpu.memory_space<vmem>>
    %dma_start3A_82 = tpu.memref_squeeze %dma_start3A_81 : memref<1x128x16xf32, #tpu.memory_space<vmem>> -> memref<128x16xf32, #tpu.memory_space<vmem>>
    %dma_start3A_83 = arith.constant 0 : i32
    %dma_start3A_84 = tpu.memref_slice %arg6[%dma_start3A_77, %dma_start3A_83] : memref<200x128xi32, #tpu.memory_space<vmem>> -> memref<1x128xi32, #tpu.memory_space<vmem>>
    %dma_start3A_85 = tpu.memref_squeeze %dma_start3A_84 : memref<1x128xi32, #tpu.memory_space<vmem>> -> memref<128xi32, #tpu.memory_space<vmem>>
    %dma_start3A_86 = arith.constant 0 : i32
    %dma_start3A_87 = arith.constant 0 : i32
    %dma_start3A_88 = tpu.memref_slice %arg3[%dma_start3A_86, %dma_start3A_87] : memref<1015808x16xf32, #tpu.memory_space<hbm>> -> memref<1015808x16xf32, #tpu.memory_space<hbm>>
    tpu.enqueue_indirect_dma source(%dma_start3A_88 : memref<1015808x16xf32, #tpu.memory_space<hbm>>) target(%dma_start3A_82 : memref<128x16xf32, #tpu.memory_space<vmem>>) offsets(%dma_start3A_85 : memref<128xi32, #tpu.memory_space<vmem>>) semaphore(%arg11 : memref<!tpu.dma_semaphore, #tpu.memory_space<semaphore_mem>>)
    %dma_start3A_89 = arith.constant 7 : i32
    %dma_start3A_90 = arith.constant 7 : i32
    %dma_start3A_91 = arith.constant 0 : i32
    %dma_start3A_92 = arith.constant 0 : i32
    %dma_start3A_93 = tpu.memref_slice %arg8[%dma_start3A_90, %dma_start3A_91, %dma_start3A_92] : memref<8x128x16xf32, #tpu.memory_space<vmem>> -> memref<1x128x16xf32, #tpu.memory_space<vmem>>
    %dma_start3A_94 = tpu.memref_squeeze %dma_start3A_93 : memref<1x128x16xf32, #tpu.memory_space<vmem>> -> memref<128x16xf32, #tpu.memory_space<vmem>>
    %dma_start3A_95 = arith.constant 0 : i32
    %dma_start3A_96 = tpu.memref_slice %arg6[%dma_start3A_89, %dma_start3A_95] : memref<200x128xi32, #tpu.memory_space<vmem>> -> memref<1x128xi32, #tpu.memory_space<vmem>>
    %dma_start3A_97 = tpu.memref_squeeze %dma_start3A_96 : memref<1x128xi32, #tpu.memory_space<vmem>> -> memref<128xi32, #tpu.memory_space<vmem>>
    %dma_start3A_98 = arith.constant 0 : i32
    %dma_start3A_99 = arith.constant 0 : i32
    %dma_start3A_100 = tpu.memref_slice %arg3[%dma_start3A_98, %dma_start3A_99] : memref<1015808x16xf32, #tpu.memory_space<hbm>> -> memref<1015808x16xf32, #tpu.memory_space<hbm>>
    tpu.enqueue_indirect_dma source(%dma_start3A_100 : memref<1015808x16xf32, #tpu.memory_space<hbm>>) target(%dma_start3A_94 : memref<128x16xf32, #tpu.memory_space<vmem>>) offsets(%dma_start3A_97 : memref<128xi32, #tpu.memory_space<vmem>>) semaphore(%arg11 : memref<!tpu.dma_semaphore, #tpu.memory_space<semaphore_mem>>)
    %scan3A = arith.constant 0 : i32
    %scan3A_101 = arith.constant 0 : i32
    %scan3A_102 = arith.constant 25 : i32
    %scan3A_103 = arith.addi %scan3A_101, %scan3A_102 : i32
    %scan3A_104 = arith.constant 1 : i32
    scf.for %scan3A_113 = %scan3A_101 to %scan3A_103 step %scan3A_104  : i32 {
      %mul3A_114 = arith.constant 8 : i32
      %mul3A_115 = arith.muli %scan3A_113, %mul3A_114 : i32
      %add3A_116 = arith.constant 0 : i32
      %add3A_117 = arith.addi %mul3A_115, %add3A_116 : i32
      %dma_wait3A = arith.constant 0 : i32
      %dma_wait3A_118 = arith.constant 0 : i32
      %dma_wait3A_119 = arith.constant 0 : i32
      %dma_wait3A_120 = arith.constant 0 : i32
      %dma_wait3A_121 = tpu.memref_slice %arg8[%dma_wait3A_118, %dma_wait3A_119, %dma_wait3A_120] : memref<8x128x16xf32, #tpu.memory_space<vmem>> -> memref<1x128x16xf32, #tpu.memory_space<vmem>>
      %dma_wait3A_122 = tpu.memref_squeeze %dma_wait3A_121 : memref<1x128x16xf32, #tpu.memory_space<vmem>> -> memref<128x16xf32, #tpu.memory_space<vmem>>
      %dma_wait3A_123 = arith.constant 0 : i32
      %dma_wait3A_124 = tpu.memref_slice %arg6[%dma_wait3A, %dma_wait3A_123] : memref<200x128xi32, #tpu.memory_space<vmem>> -> memref<1x128xi32, #tpu.memory_space<vmem>>
      %dma_wait3A_125 = tpu.memref_squeeze %dma_wait3A_124 : memref<1x128xi32, #tpu.memory_space<vmem>> -> memref<128xi32, #tpu.memory_space<vmem>>
      %dma_wait3A_126 = arith.constant 0 : i32
      %dma_wait3A_127 = arith.constant 0 : i32
      %dma_wait3A_128 = tpu.memref_slice %arg3[%dma_wait3A_126, %dma_wait3A_127] : memref<1015808x16xf32, #tpu.memory_space<hbm>> -> memref<1015808x16xf32, #tpu.memory_space<hbm>>
      tpu.wait_indirect_dma semaphore(%arg10 : memref<!tpu.dma_semaphore, #tpu.memory_space<semaphore_mem>>) src(%dma_wait3A_128 : memref<1015808x16xf32, #tpu.memory_space<hbm>>) dst(%dma_wait3A_122 : memref<128x16xf32, #tpu.memory_space<vmem>>)
      %dma_wait3A_129 = arith.constant 0 : i32
      %dma_wait3A_130 = arith.constant 1 : i32
      %dma_wait3A_131 = arith.constant 0 : i32
      %dma_wait3A_132 = arith.constant 0 : i32
      %dma_wait3A_133 = tpu.memref_slice %arg8[%dma_wait3A_130, %dma_wait3A_131, %dma_wait3A_132] : memref<8x128x16xf32, #tpu.memory_space<vmem>> -> memref<1x128x16xf32, #tpu.memory_space<vmem>>
      %dma_wait3A_134 = tpu.memref_squeeze %dma_wait3A_133 : memref<1x128x16xf32, #tpu.memory_space<vmem>> -> memref<128x16xf32, #tpu.memory_space<vmem>>
      %dma_wait3A_135 = arith.constant 0 : i32
      %dma_wait3A_136 = tpu.memref_slice %arg6[%dma_wait3A_129, %dma_wait3A_135] : memref<200x128xi32, #tpu.memory_space<vmem>> -> memref<1x128xi32, #tpu.memory_space<vmem>>
      %dma_wait3A_137 = tpu.memref_squeeze %dma_wait3A_136 : memref<1x128xi32, #tpu.memory_space<vmem>> -> memref<128xi32, #tpu.memory_space<vmem>>
      %dma_wait3A_138 = arith.constant 0 : i32
      %dma_wait3A_139 = arith.constant 0 : i32
      %dma_wait3A_140 = tpu.memref_slice %arg3[%dma_wait3A_138, %dma_wait3A_139] : memref<1015808x16xf32, #tpu.memory_space<hbm>> -> memref<1015808x16xf32, #tpu.memory_space<hbm>>
      tpu.wait_indirect_dma semaphore(%arg10 : memref<!tpu.dma_semaphore, #tpu.memory_space<semaphore_mem>>) src(%dma_wait3A_140 : memref<1015808x16xf32, #tpu.memory_space<hbm>>) dst(%dma_wait3A_134 : memref<128x16xf32, #tpu.memory_space<vmem>>)
      %dma_wait3A_141 = arith.constant 0 : i32
      %dma_wait3A_142 = arith.constant 2 : i32
      %dma_wait3A_143 = arith.constant 0 : i32
      %dma_wait3A_144 = arith.constant 0 : i32
      %dma_wait3A_145 = tpu.memref_slice %arg8[%dma_wait3A_142, %dma_wait3A_143, %dma_wait3A_144] : memref<8x128x16xf32, #tpu.memory_space<vmem>> -> memref<1x128x16xf32, #tpu.memory_space<vmem>>
      %dma_wait3A_146 = tpu.memref_squeeze %dma_wait3A_145 : memref<1x128x16xf32, #tpu.memory_space<vmem>> -> memref<128x16xf32, #tpu.memory_space<vmem>>
      %dma_wait3A_147 = arith.constant 0 : i32
      %dma_wait3A_148 = tpu.memref_slice %arg6[%dma_wait3A_141, %dma_wait3A_147] : memref<200x128xi32, #tpu.memory_space<vmem>> -> memref<1x128xi32, #tpu.memory_space<vmem>>
      %dma_wait3A_149 = tpu.memref_squeeze %dma_wait3A_148 : memref<1x128xi32, #tpu.memory_space<vmem>> -> memref<128xi32, #tpu.memory_space<vmem>>
      %dma_wait3A_150 = arith.constant 0 : i32
      %dma_wait3A_151 = arith.constant 0 : i32
      %dma_wait3A_152 = tpu.memref_slice %arg3[%dma_wait3A_150, %dma_wait3A_151] : memref<1015808x16xf32, #tpu.memory_space<hbm>> -> memref<1015808x16xf32, #tpu.memory_space<hbm>>
      tpu.wait_indirect_dma semaphore(%arg10 : memref<!tpu.dma_semaphore, #tpu.memory_space<semaphore_mem>>) src(%dma_wait3A_152 : memref<1015808x16xf32, #tpu.memory_space<hbm>>) dst(%dma_wait3A_146 : memref<128x16xf32, #tpu.memory_space<vmem>>)
      %dma_wait3A_153 = arith.constant 0 : i32
      %dma_wait3A_154 = arith.constant 3 : i32
      %dma_wait3A_155 = arith.constant 0 : i32
      %dma_wait3A_156 = arith.constant 0 : i32
      %dma_wait3A_157 = tpu.memref_slice %arg8[%dma_wait3A_154, %dma_wait3A_155, %dma_wait3A_156] : memref<8x128x16xf32, #tpu.memory_space<vmem>> -> memref<1x128x16xf32, #tpu.memory_space<vmem>>
      %dma_wait3A_158 = tpu.memref_squeeze %dma_wait3A_157 : memref<1x128x16xf32, #tpu.memory_space<vmem>> -> memref<128x16xf32, #tpu.memory_space<vmem>>
      %dma_wait3A_159 = arith.constant 0 : i32
      %dma_wait3A_160 = tpu.memref_slice %arg6[%dma_wait3A_153, %dma_wait3A_159] : memref<200x128xi32, #tpu.memory_space<vmem>> -> memref<1x128xi32, #tpu.memory_space<vmem>>
      %dma_wait3A_161 = tpu.memref_squeeze %dma_wait3A_160 : memref<1x128xi32, #tpu.memory_space<vmem>> -> memref<128xi32, #tpu.memory_space<vmem>>
      %dma_wait3A_162 = arith.constant 0 : i32
      %dma_wait3A_163 = arith.constant 0 : i32
      %dma_wait3A_164 = tpu.memref_slice %arg3[%dma_wait3A_162, %dma_wait3A_163] : memref<1015808x16xf32, #tpu.memory_space<hbm>> -> memref<1015808x16xf32, #tpu.memory_space<hbm>>
      tpu.wait_indirect_dma semaphore(%arg10 : memref<!tpu.dma_semaphore, #tpu.memory_space<semaphore_mem>>) src(%dma_wait3A_164 : memref<1015808x16xf32, #tpu.memory_space<hbm>>) dst(%dma_wait3A_158 : memref<128x16xf32, #tpu.memory_space<vmem>>)
      %parallel_loop3A_165 = arith.constant 0 : i32
      %parallel_loop3A_166 = arith.constant 128 : i32
      %parallel_loop3A_167 = arith.constant 1 : i32
      scf.for %parallel_loop3A_292 = %parallel_loop3A_165 to %parallel_loop3A_166 step %parallel_loop3A_167  : i32 {
        %parallel_loop3A_293 = arith.constant 0 : i32
        %parallel_loop3A_294 = arith.index_cast %parallel_loop3A_293 : i32 to index
        %parallel_loop3A_295 = arith.index_cast %parallel_loop3A_292 : i32 to index
        %parallel_loop3A_296 = arith.constant 0 : index
        %parallel_loop3A_297 = tpu.vector_load %arg8[%parallel_loop3A_294, %parallel_loop3A_295, %parallel_loop3A_296] {strides = array<i32>} : memref<8x128x16xf32, #tpu.memory_space<vmem>>, vector<1x1x16xf32>,
        %parallel_loop3A_298 = vector.shape_cast %parallel_loop3A_297 : vector<1x1x16xf32> to vector<16xf32>
        %parallel_loop3A_299 = arith.constant 1 : i32
        %parallel_loop3A_300 = arith.index_cast %parallel_loop3A_299 : i32 to index
        %parallel_loop3A_301 = arith.index_cast %parallel_loop3A_292 : i32 to index
        %parallel_loop3A_302 = arith.constant 0 : index
        %parallel_loop3A_303 = tpu.vector_load %arg8[%parallel_loop3A_300, %parallel_loop3A_301, %parallel_loop3A_302] {strides = array<i32>} : memref<8x128x16xf32, #tpu.memory_space<vmem>>, vector<1x1x16xf32>,
        %parallel_loop3A_304 = vector.shape_cast %parallel_loop3A_303 : vector<1x1x16xf32> to vector<16xf32>
        %parallel_loop3A_305 = arith.addf %parallel_loop3A_298, %parallel_loop3A_304 : vector<16xf32>
        %parallel_loop3A_306 = arith.constant 2 : i32
        %parallel_loop3A_307 = arith.index_cast %parallel_loop3A_306 : i32 to index
        %parallel_loop3A_308 = arith.index_cast %parallel_loop3A_292 : i32 to index
        %parallel_loop3A_309 = arith.constant 0 : index
        %parallel_loop3A_310 = tpu.vector_load %arg8[%parallel_loop3A_307, %parallel_loop3A_308, %parallel_loop3A_309] {strides = array<i32>} : memref<8x128x16xf32, #tpu.memory_space<vmem>>, vector<1x1x16xf32>,
        %parallel_loop3A_311 = vector.shape_cast %parallel_loop3A_310 : vector<1x1x16xf32> to vector<16xf32>
        %parallel_loop3A_312 = arith.constant 3 : i32
        %parallel_loop3A_313 = arith.index_cast %parallel_loop3A_312 : i32 to index
        %parallel_loop3A_314 = arith.index_cast %parallel_loop3A_292 : i32 to index
        %parallel_loop3A_315 = arith.constant 0 : index
        %parallel_loop3A_316 = tpu.vector_load %arg8[%parallel_loop3A_313, %parallel_loop3A_314, %parallel_loop3A_315] {strides = array<i32>} : memref<8x128x16xf32, #tpu.memory_space<vmem>>, vector<1x1x16xf32>,
        %parallel_loop3A_317 = vector.shape_cast %parallel_loop3A_316 : vector<1x1x16xf32> to vector<16xf32>
        %parallel_loop3A_318 = arith.addf %parallel_loop3A_311, %parallel_loop3A_317 : vector<16xf32>
        %parallel_loop3A_319 = arith.addf %parallel_loop3A_305, %parallel_loop3A_318 : vector<16xf32>
        %parallel_loop3A_320 = arith.index_cast %parallel_loop3A_292 : i32 to index
        %parallel_loop3A_321 = arith.constant 0 : index
        %parallel_loop3A_322 = tpu.vector_load %arg7[%parallel_loop3A_320, %parallel_loop3A_321] {strides = array<i32>} : memref<128x16xf32, #tpu.memory_space<vmem>>, vector<1x16xf32>,
        %parallel_loop3A_323 = vector.shape_cast %parallel_loop3A_322 : vector<1x16xf32> to vector<16xf32>
        %parallel_loop3A_324 = vector.shape_cast %parallel_loop3A_319 : vector<16xf32> to vector<1x16xf32>
        tpu.vector_store %arg7[%parallel_loop3A_320, %parallel_loop3A_321], %parallel_loop3A_324 {add = true, strides = array<i32>} : memref<128x16xf32, #tpu.memory_space<vmem>>, vector<1x16xf32>,
      } {sc.loop_unroll_factor = 4 : i64, sc.parallel_access}
      %add3A_168 = arith.constant 8 : i32
      %add3A_169 = arith.addi %add3A_117, %add3A_168 : i32
      %add3A_170 = arith.constant 0 : i32
      %add3A_171 = arith.addi %add3A_169, %add3A_170 : i32
      %lt3A = arith.constant 200 : i32
      %lt3A_172 = arith.cmpi slt, %add3A_171, %lt3A : i32
      %convert_element_type3A = arith.extui %lt3A_172 : i1 to i32
      %cond3A = arith.constant 0 : i32
      %cond3A_173 = arith.cmpi ne, %convert_element_type3A, %cond3A : i32
      scf.if %cond3A_173 {
        %dma_start3A_292 = arith.constant 0 : i32
        %dma_start3A_293 = arith.constant 0 : i32
        %dma_start3A_294 = arith.constant 0 : i32
        %dma_start3A_295 = tpu.memref_slice %arg8[%dma_start3A_292, %dma_start3A_293, %dma_start3A_294] : memref<8x128x16xf32, #tpu.memory_space<vmem>> -> memref<1x128x16xf32, #tpu.memory_space<vmem>>
        %dma_start3A_296 = tpu.memref_squeeze %dma_start3A_295 : memref<1x128x16xf32, #tpu.memory_space<vmem>> -> memref<128x16xf32, #tpu.memory_space<vmem>>
        %dma_start3A_297 = arith.constant 0 : i32
        %dma_start3A_298 = tpu.memref_slice %arg6[%add3A_171, %dma_start3A_297] : memref<200x128xi32, #tpu.memory_space<vmem>> -> memref<1x128xi32, #tpu.memory_space<vmem>>
        %dma_start3A_299 = tpu.memref_squeeze %dma_start3A_298 : memref<1x128xi32, #tpu.memory_space<vmem>> -> memref<128xi32, #tpu.memory_space<vmem>>
        %dma_start3A_300 = arith.constant 0 : i32
        %dma_start3A_301 = arith.constant 0 : i32
        %dma_start3A_302 = tpu.memref_slice %arg3[%dma_start3A_300, %dma_start3A_301] : memref<1015808x16xf32, #tpu.memory_space<hbm>> -> memref<1015808x16xf32, #tpu.memory_space<hbm>>
        tpu.enqueue_indirect_dma source(%dma_start3A_302 : memref<1015808x16xf32, #tpu.memory_space<hbm>>) target(%dma_start3A_296 : memref<128x16xf32, #tpu.memory_space<vmem>>) offsets(%dma_start3A_299 : memref<128xi32, #tpu.memory_space<vmem>>) semaphore(%arg10 : memref<!tpu.dma_semaphore, #tpu.memory_space<semaphore_mem>>)
      } else {
      }
      %add3A_174 = arith.constant 8 : i32
      %add3A_175 = arith.addi %add3A_117, %add3A_174 : i32
      %add3A_176 = arith.constant 1 : i32
      %add3A_177 = arith.addi %add3A_175, %add3A_176 : i32
      %lt3A_178 = arith.constant 200 : i32
      %lt3A_179 = arith.cmpi slt, %add3A_177, %lt3A_178 : i32
      %convert_element_type3A_180 = arith.extui %lt3A_179 : i1 to i32
      %cond3A_181 = arith.constant 0 : i32
      %cond3A_182 = arith.cmpi ne, %convert_element_type3A_180, %cond3A_181 : i32
      scf.if %cond3A_182 {
        %dma_start3A_292 = arith.constant 1 : i32
        %dma_start3A_293 = arith.constant 0 : i32
        %dma_start3A_294 = arith.constant 0 : i32
        %dma_start3A_295 = tpu.memref_slice %arg8[%dma_start3A_292, %dma_start3A_293, %dma_start3A_294] : memref<8x128x16xf32, #tpu.memory_space<vmem>> -> memref<1x128x16xf32, #tpu.memory_space<vmem>>
        %dma_start3A_296 = tpu.memref_squeeze %dma_start3A_295 : memref<1x128x16xf32, #tpu.memory_space<vmem>> -> memref<128x16xf32, #tpu.memory_space<vmem>>
        %dma_start3A_297 = arith.constant 0 : i32
        %dma_start3A_298 = tpu.memref_slice %arg6[%add3A_177, %dma_start3A_297] : memref<200x128xi32, #tpu.memory_space<vmem>> -> memref<1x128xi32, #tpu.memory_space<vmem>>
        %dma_start3A_299 = tpu.memref_squeeze %dma_start3A_298 : memref<1x128xi32, #tpu.memory_space<vmem>> -> memref<128xi32, #tpu.memory_space<vmem>>
        %dma_start3A_300 = arith.constant 0 : i32
        %dma_start3A_301 = arith.constant 0 : i32
        %dma_start3A_302 = tpu.memref_slice %arg3[%dma_start3A_300, %dma_start3A_301] : memref<1015808x16xf32, #tpu.memory_space<hbm>> -> memref<1015808x16xf32, #tpu.memory_space<hbm>>
        tpu.enqueue_indirect_dma source(%dma_start3A_302 : memref<1015808x16xf32, #tpu.memory_space<hbm>>) target(%dma_start3A_296 : memref<128x16xf32, #tpu.memory_space<vmem>>) offsets(%dma_start3A_299 : memref<128xi32, #tpu.memory_space<vmem>>) semaphore(%arg10 : memref<!tpu.dma_semaphore, #tpu.memory_space<semaphore_mem>>)
      } else {
      }
      %add3A_183 = arith.constant 8 : i32
      %add3A_184 = arith.addi %add3A_117, %add3A_183 : i32
      %add3A_185 = arith.constant 2 : i32
      %add3A_186 = arith.addi %add3A_184, %add3A_185 : i32
      %lt3A_187 = arith.constant 200 : i32
      %lt3A_188 = arith.cmpi slt, %add3A_186, %lt3A_187 : i32
      %convert_element_type3A_189 = arith.extui %lt3A_188 : i1 to i32
      %cond3A_190 = arith.constant 0 : i32
      %cond3A_191 = arith.cmpi ne, %convert_element_type3A_189, %cond3A_190 : i32
      scf.if %cond3A_191 {
        %dma_start3A_292 = arith.constant 2 : i32
        %dma_start3A_293 = arith.constant 0 : i32
        %dma_start3A_294 = arith.constant 0 : i32
        %dma_start3A_295 = tpu.memref_slice %arg8[%dma_start3A_292, %dma_start3A_293, %dma_start3A_294] : memref<8x128x16xf32, #tpu.memory_space<vmem>> -> memref<1x128x16xf32, #tpu.memory_space<vmem>>
        %dma_start3A_296 = tpu.memref_squeeze %dma_start3A_295 : memref<1x128x16xf32, #tpu.memory_space<vmem>> -> memref<128x16xf32, #tpu.memory_space<vmem>>
        %dma_start3A_297 = arith.constant 0 : i32
        %dma_start3A_298 = tpu.memref_slice %arg6[%add3A_186, %dma_start3A_297] : memref<200x128xi32, #tpu.memory_space<vmem>> -> memref<1x128xi32, #tpu.memory_space<vmem>>
        %dma_start3A_299 = tpu.memref_squeeze %dma_start3A_298 : memref<1x128xi32, #tpu.memory_space<vmem>> -> memref<128xi32, #tpu.memory_space<vmem>>
        %dma_start3A_300 = arith.constant 0 : i32
        %dma_start3A_301 = arith.constant 0 : i32
        %dma_start3A_302 = tpu.memref_slice %arg3[%dma_start3A_300, %dma_start3A_301] : memref<1015808x16xf32, #tpu.memory_space<hbm>> -> memref<1015808x16xf32, #tpu.memory_space<hbm>>
        tpu.enqueue_indirect_dma source(%dma_start3A_302 : memref<1015808x16xf32, #tpu.memory_space<hbm>>) target(%dma_start3A_296 : memref<128x16xf32, #tpu.memory_space<vmem>>) offsets(%dma_start3A_299 : memref<128xi32, #tpu.memory_space<vmem>>) semaphore(%arg10 : memref<!tpu.dma_semaphore, #tpu.memory_space<semaphore_mem>>)
      } else {
      }
      %add3A_192 = arith.constant 8 : i32
      %add3A_193 = arith.addi %add3A_117, %add3A_192 : i32
      %add3A_194 = arith.constant 3 : i32
      %add3A_195 = arith.addi %add3A_193, %add3A_194 : i32
      %lt3A_196 = arith.constant 200 : i32
      %lt3A_197 = arith.cmpi slt, %add3A_195, %lt3A_196 : i32
      %convert_element_type3A_198 = arith.extui %lt3A_197 : i1 to i32
      %cond3A_199 = arith.constant 0 : i32
      %cond3A_200 = arith.cmpi ne, %convert_element_type3A_198, %cond3A_199 : i32
      scf.if %cond3A_200 {
        %dma_start3A_292 = arith.constant 3 : i32
        %dma_start3A_293 = arith.constant 0 : i32
        %dma_start3A_294 = arith.constant 0 : i32
        %dma_start3A_295 = tpu.memref_slice %arg8[%dma_start3A_292, %dma_start3A_293, %dma_start3A_294] : memref<8x128x16xf32, #tpu.memory_space<vmem>> -> memref<1x128x16xf32, #tpu.memory_space<vmem>>
        %dma_start3A_296 = tpu.memref_squeeze %dma_start3A_295 : memref<1x128x16xf32, #tpu.memory_space<vmem>> -> memref<128x16xf32, #tpu.memory_space<vmem>>
        %dma_start3A_297 = arith.constant 0 : i32
        %dma_start3A_298 = tpu.memref_slice %arg6[%add3A_195, %dma_start3A_297] : memref<200x128xi32, #tpu.memory_space<vmem>> -> memref<1x128xi32, #tpu.memory_space<vmem>>
        %dma_start3A_299 = tpu.memref_squeeze %dma_start3A_298 : memref<1x128xi32, #tpu.memory_space<vmem>> -> memref<128xi32, #tpu.memory_space<vmem>>
        %dma_start3A_300 = arith.constant 0 : i32
        %dma_start3A_301 = arith.constant 0 : i32
        %dma_start3A_302 = tpu.memref_slice %arg3[%dma_start3A_300, %dma_start3A_301] : memref<1015808x16xf32, #tpu.memory_space<hbm>> -> memref<1015808x16xf32, #tpu.memory_space<hbm>>
        tpu.enqueue_indirect_dma source(%dma_start3A_302 : memref<1015808x16xf32, #tpu.memory_space<hbm>>) target(%dma_start3A_296 : memref<128x16xf32, #tpu.memory_space<vmem>>) offsets(%dma_start3A_299 : memref<128xi32, #tpu.memory_space<vmem>>) semaphore(%arg10 : memref<!tpu.dma_semaphore, #tpu.memory_space<semaphore_mem>>)
      } else {
      }
      %mul3A_201 = arith.constant 8 : i32
      %mul3A_202 = arith.muli %scan3A_113, %mul3A_201 : i32
      %add3A_203 = arith.constant 4 : i32
      %add3A_204 = arith.addi %mul3A_202, %add3A_203 : i32
      %dma_wait3A_205 = arith.constant 0 : i32
      %dma_wait3A_206 = arith.constant 4 : i32
      %dma_wait3A_207 = arith.constant 0 : i32
      %dma_wait3A_208 = arith.constant 0 : i32
      %dma_wait3A_209 = tpu.memref_slice %arg8[%dma_wait3A_206, %dma_wait3A_207, %dma_wait3A_208] : memref<8x128x16xf32, #tpu.memory_space<vmem>> -> memref<1x128x16xf32, #tpu.memory_space<vmem>>
      %dma_wait3A_210 = tpu.memref_squeeze %dma_wait3A_209 : memref<1x128x16xf32, #tpu.memory_space<vmem>> -> memref<128x16xf32, #tpu.memory_space<vmem>>
      %dma_wait3A_211 = arith.constant 0 : i32
      %dma_wait3A_212 = tpu.memref_slice %arg6[%dma_wait3A_205, %dma_wait3A_211] : memref<200x128xi32, #tpu.memory_space<vmem>> -> memref<1x128xi32, #tpu.memory_space<vmem>>
      %dma_wait3A_213 = tpu.memref_squeeze %dma_wait3A_212 : memref<1x128xi32, #tpu.memory_space<vmem>> -> memref<128xi32, #tpu.memory_space<vmem>>
      %dma_wait3A_214 = arith.constant 0 : i32
      %dma_wait3A_215 = arith.constant 0 : i32
      %dma_wait3A_216 = tpu.memref_slice %arg3[%dma_wait3A_214, %dma_wait3A_215] : memref<1015808x16xf32, #tpu.memory_space<hbm>> -> memref<1015808x16xf32, #tpu.memory_space<hbm>>
      tpu.wait_indirect_dma semaphore(%arg11 : memref<!tpu.dma_semaphore, #tpu.memory_space<semaphore_mem>>) src(%dma_wait3A_216 : memref<1015808x16xf32, #tpu.memory_space<hbm>>) dst(%dma_wait3A_210 : memref<128x16xf32, #tpu.memory_space<vmem>>)
      %dma_wait3A_217 = arith.constant 0 : i32
      %dma_wait3A_218 = arith.constant 5 : i32
      %dma_wait3A_219 = arith.constant 0 : i32
      %dma_wait3A_220 = arith.constant 0 : i32
      %dma_wait3A_221 = tpu.memref_slice %arg8[%dma_wait3A_218, %dma_wait3A_219, %dma_wait3A_220] : memref<8x128x16xf32, #tpu.memory_space<vmem>> -> memref<1x128x16xf32, #tpu.memory_space<vmem>>
      %dma_wait3A_222 = tpu.memref_squeeze %dma_wait3A_221 : memref<1x128x16xf32, #tpu.memory_space<vmem>> -> memref<128x16xf32, #tpu.memory_space<vmem>>
      %dma_wait3A_223 = arith.constant 0 : i32
      %dma_wait3A_224 = tpu.memref_slice %arg6[%dma_wait3A_217, %dma_wait3A_223] : memref<200x128xi32, #tpu.memory_space<vmem>> -> memref<1x128xi32, #tpu.memory_space<vmem>>
      %dma_wait3A_225 = tpu.memref_squeeze %dma_wait3A_224 : memref<1x128xi32, #tpu.memory_space<vmem>> -> memref<128xi32, #tpu.memory_space<vmem>>
      %dma_wait3A_226 = arith.constant 0 : i32
      %dma_wait3A_227 = arith.constant 0 : i32
      %dma_wait3A_228 = tpu.memref_slice %arg3[%dma_wait3A_226, %dma_wait3A_227] : memref<1015808x16xf32, #tpu.memory_space<hbm>> -> memref<1015808x16xf32, #tpu.memory_space<hbm>>
      tpu.wait_indirect_dma semaphore(%arg11 : memref<!tpu.dma_semaphore, #tpu.memory_space<semaphore_mem>>) src(%dma_wait3A_228 : memref<1015808x16xf32, #tpu.memory_space<hbm>>) dst(%dma_wait3A_222 : memref<128x16xf32, #tpu.memory_space<vmem>>)
      %dma_wait3A_229 = arith.constant 0 : i32
      %dma_wait3A_230 = arith.constant 6 : i32
      %dma_wait3A_231 = arith.constant 0 : i32
      %dma_wait3A_232 = arith.constant 0 : i32
      %dma_wait3A_233 = tpu.memref_slice %arg8[%dma_wait3A_230, %dma_wait3A_231, %dma_wait3A_232] : memref<8x128x16xf32, #tpu.memory_space<vmem>> -> memref<1x128x16xf32, #tpu.memory_space<vmem>>
      %dma_wait3A_234 = tpu.memref_squeeze %dma_wait3A_233 : memref<1x128x16xf32, #tpu.memory_space<vmem>> -> memref<128x16xf32, #tpu.memory_space<vmem>>
      %dma_wait3A_235 = arith.constant 0 : i32
      %dma_wait3A_236 = tpu.memref_slice %arg6[%dma_wait3A_229, %dma_wait3A_235] : memref<200x128xi32, #tpu.memory_space<vmem>> -> memref<1x128xi32, #tpu.memory_space<vmem>>
      %dma_wait3A_237 = tpu.memref_squeeze %dma_wait3A_236 : memref<1x128xi32, #tpu.memory_space<vmem>> -> memref<128xi32, #tpu.memory_space<vmem>>
      %dma_wait3A_238 = arith.constant 0 : i32
      %dma_wait3A_239 = arith.constant 0 : i32
      %dma_wait3A_240 = tpu.memref_slice %arg3[%dma_wait3A_238, %dma_wait3A_239] : memref<1015808x16xf32, #tpu.memory_space<hbm>> -> memref<1015808x16xf32, #tpu.memory_space<hbm>>
      tpu.wait_indirect_dma semaphore(%arg11 : memref<!tpu.dma_semaphore, #tpu.memory_space<semaphore_mem>>) src(%dma_wait3A_240 : memref<1015808x16xf32, #tpu.memory_space<hbm>>) dst(%dma_wait3A_234 : memref<128x16xf32, #tpu.memory_space<vmem>>)
      %dma_wait3A_241 = arith.constant 0 : i32
      %dma_wait3A_242 = arith.constant 7 : i32
      %dma_wait3A_243 = arith.constant 0 : i32
      %dma_wait3A_244 = arith.constant 0 : i32
      %dma_wait3A_245 = tpu.memref_slice %arg8[%dma_wait3A_242, %dma_wait3A_243, %dma_wait3A_244] : memref<8x128x16xf32, #tpu.memory_space<vmem>> -> memref<1x128x16xf32, #tpu.memory_space<vmem>>
      %dma_wait3A_246 = tpu.memref_squeeze %dma_wait3A_245 : memref<1x128x16xf32, #tpu.memory_space<vmem>> -> memref<128x16xf32, #tpu.memory_space<vmem>>
      %dma_wait3A_247 = arith.constant 0 : i32
      %dma_wait3A_248 = tpu.memref_slice %arg6[%dma_wait3A_241, %dma_wait3A_247] : memref<200x128xi32, #tpu.memory_space<vmem>> -> memref<1x128xi32, #tpu.memory_space<vmem>>
      %dma_wait3A_249 = tpu.memref_squeeze %dma_wait3A_248 : memref<1x128xi32, #tpu.memory_space<vmem>> -> memref<128xi32, #tpu.memory_space<vmem>>
      %dma_wait3A_250 = arith.constant 0 : i32
      %dma_wait3A_251 = arith.constant 0 : i32
      %dma_wait3A_252 = tpu.memref_slice %arg3[%dma_wait3A_250, %dma_wait3A_251] : memref<1015808x16xf32, #tpu.memory_space<hbm>> -> memref<1015808x16xf32, #tpu.memory_space<hbm>>
      tpu.wait_indirect_dma semaphore(%arg11 : memref<!tpu.dma_semaphore, #tpu.memory_space<semaphore_mem>>) src(%dma_wait3A_252 : memref<1015808x16xf32, #tpu.memory_space<hbm>>) dst(%dma_wait3A_246 : memref<128x16xf32, #tpu.memory_space<vmem>>)
      %parallel_loop3A_253 = arith.constant 0 : i32
      %parallel_loop3A_254 = arith.constant 128 : i32
      %parallel_loop3A_255 = arith.constant 1 : i32
      scf.for %parallel_loop3A_292 = %parallel_loop3A_253 to %parallel_loop3A_254 step %parallel_loop3A_255  : i32 {
        %parallel_loop3A_293 = arith.constant 4 : i32
        %parallel_loop3A_294 = arith.index_cast %parallel_loop3A_293 : i32 to index
        %parallel_loop3A_295 = arith.index_cast %parallel_loop3A_292 : i32 to index
        %parallel_loop3A_296 = arith.constant 0 : index
        %parallel_loop3A_297 = tpu.vector_load %arg8[%parallel_loop3A_294, %parallel_loop3A_295, %parallel_loop3A_296] {strides = array<i32>} : memref<8x128x16xf32, #tpu.memory_space<vmem>>, vector<1x1x16xf32>,
        %parallel_loop3A_298 = vector.shape_cast %parallel_loop3A_297 : vector<1x1x16xf32> to vector<16xf32>
        %parallel_loop3A_299 = arith.constant 5 : i32
        %parallel_loop3A_300 = arith.index_cast %parallel_loop3A_299 : i32 to index
        %parallel_loop3A_301 = arith.index_cast %parallel_loop3A_292 : i32 to index
        %parallel_loop3A_302 = arith.constant 0 : index
        %parallel_loop3A_303 = tpu.vector_load %arg8[%parallel_loop3A_300, %parallel_loop3A_301, %parallel_loop3A_302] {strides = array<i32>} : memref<8x128x16xf32, #tpu.memory_space<vmem>>, vector<1x1x16xf32>,
        %parallel_loop3A_304 = vector.shape_cast %parallel_loop3A_303 : vector<1x1x16xf32> to vector<16xf32>
        %parallel_loop3A_305 = arith.addf %parallel_loop3A_298, %parallel_loop3A_304 : vector<16xf32>
        %parallel_loop3A_306 = arith.constant 6 : i32
        %parallel_loop3A_307 = arith.index_cast %parallel_loop3A_306 : i32 to index
        %parallel_loop3A_308 = arith.index_cast %parallel_loop3A_292 : i32 to index
        %parallel_loop3A_309 = arith.constant 0 : index
        %parallel_loop3A_310 = tpu.vector_load %arg8[%parallel_loop3A_307, %parallel_loop3A_308, %parallel_loop3A_309] {strides = array<i32>} : memref<8x128x16xf32, #tpu.memory_space<vmem>>, vector<1x1x16xf32>,
        %parallel_loop3A_311 = vector.shape_cast %parallel_loop3A_310 : vector<1x1x16xf32> to vector<16xf32>
        %parallel_loop3A_312 = arith.constant 7 : i32
        %parallel_loop3A_313 = arith.index_cast %parallel_loop3A_312 : i32 to index
        %parallel_loop3A_314 = arith.index_cast %parallel_loop3A_292 : i32 to index
        %parallel_loop3A_315 = arith.constant 0 : index
        %parallel_loop3A_316 = tpu.vector_load %arg8[%parallel_loop3A_313, %parallel_loop3A_314, %parallel_loop3A_315] {strides = array<i32>} : memref<8x128x16xf32, #tpu.memory_space<vmem>>, vector<1x1x16xf32>,
        %parallel_loop3A_317 = vector.shape_cast %parallel_loop3A_316 : vector<1x1x16xf32> to vector<16xf32>
        %parallel_loop3A_318 = arith.addf %parallel_loop3A_311, %parallel_loop3A_317 : vector<16xf32>
        %parallel_loop3A_319 = arith.addf %parallel_loop3A_305, %parallel_loop3A_318 : vector<16xf32>
        %parallel_loop3A_320 = arith.index_cast %parallel_loop3A_292 : i32 to index
        %parallel_loop3A_321 = arith.constant 0 : index
        %parallel_loop3A_322 = tpu.vector_load %arg7[%parallel_loop3A_320, %parallel_loop3A_321] {strides = array<i32>} : memref<128x16xf32, #tpu.memory_space<vmem>>, vector<1x16xf32>,
        %parallel_loop3A_323 = vector.shape_cast %parallel_loop3A_322 : vector<1x16xf32> to vector<16xf32>
        %parallel_loop3A_324 = vector.shape_cast %parallel_loop3A_319 : vector<16xf32> to vector<1x16xf32>
        tpu.vector_store %arg7[%parallel_loop3A_320, %parallel_loop3A_321], %parallel_loop3A_324 {add = true, strides = array<i32>} : memref<128x16xf32, #tpu.memory_space<vmem>>, vector<1x16xf32>,
      } {sc.loop_unroll_factor = 4 : i64, sc.parallel_access}
      %add3A_256 = arith.constant 8 : i32
      %add3A_257 = arith.addi %add3A_204, %add3A_256 : i32
      %add3A_258 = arith.constant 0 : i32
      %add3A_259 = arith.addi %add3A_257, %add3A_258 : i32
      %lt3A_260 = arith.constant 200 : i32
      %lt3A_261 = arith.cmpi slt, %add3A_259, %lt3A_260 : i32
      %convert_element_type3A_262 = arith.extui %lt3A_261 : i1 to i32
      %cond3A_263 = arith.constant 0 : i32
      %cond3A_264 = arith.cmpi ne, %convert_element_type3A_262, %cond3A_263 : i32
      scf.if %cond3A_264 {
        %dma_start3A_292 = arith.constant 4 : i32
        %dma_start3A_293 = arith.constant 0 : i32
        %dma_start3A_294 = arith.constant 0 : i32
        %dma_start3A_295 = tpu.memref_slice %arg8[%dma_start3A_292, %dma_start3A_293, %dma_start3A_294] : memref<8x128x16xf32, #tpu.memory_space<vmem>> -> memref<1x128x16xf32, #tpu.memory_space<vmem>>
        %dma_start3A_296 = tpu.memref_squeeze %dma_start3A_295 : memref<1x128x16xf32, #tpu.memory_space<vmem>> -> memref<128x16xf32, #tpu.memory_space<vmem>>
        %dma_start3A_297 = arith.constant 0 : i32
        %dma_start3A_298 = tpu.memref_slice %arg6[%add3A_259, %dma_start3A_297] : memref<200x128xi32, #tpu.memory_space<vmem>> -> memref<1x128xi32, #tpu.memory_space<vmem>>
        %dma_start3A_299 = tpu.memref_squeeze %dma_start3A_298 : memref<1x128xi32, #tpu.memory_space<vmem>> -> memref<128xi32, #tpu.memory_space<vmem>>
        %dma_start3A_300 = arith.constant 0 : i32
        %dma_start3A_301 = arith.constant 0 : i32
        %dma_start3A_302 = tpu.memref_slice %arg3[%dma_start3A_300, %dma_start3A_301] : memref<1015808x16xf32, #tpu.memory_space<hbm>> -> memref<1015808x16xf32, #tpu.memory_space<hbm>>
        tpu.enqueue_indirect_dma source(%dma_start3A_302 : memref<1015808x16xf32, #tpu.memory_space<hbm>>) target(%dma_start3A_296 : memref<128x16xf32, #tpu.memory_space<vmem>>) offsets(%dma_start3A_299 : memref<128xi32, #tpu.memory_space<vmem>>) semaphore(%arg11 : memref<!tpu.dma_semaphore, #tpu.memory_space<semaphore_mem>>)
      } else {
      }
      %add3A_265 = arith.constant 8 : i32
      %add3A_266 = arith.addi %add3A_204, %add3A_265 : i32
      %add3A_267 = arith.constant 1 : i32
      %add3A_268 = arith.addi %add3A_266, %add3A_267 : i32
      %lt3A_269 = arith.constant 200 : i32
      %lt3A_270 = arith.cmpi slt, %add3A_268, %lt3A_269 : i32
      %convert_element_type3A_271 = arith.extui %lt3A_270 : i1 to i32
      %cond3A_272 = arith.constant 0 : i32
      %cond3A_273 = arith.cmpi ne, %convert_element_type3A_271, %cond3A_272 : i32
      scf.if %cond3A_273 {
        %dma_start3A_292 = arith.constant 5 : i32
        %dma_start3A_293 = arith.constant 0 : i32
        %dma_start3A_294 = arith.constant 0 : i32
        %dma_start3A_295 = tpu.memref_slice %arg8[%dma_start3A_292, %dma_start3A_293, %dma_start3A_294] : memref<8x128x16xf32, #tpu.memory_space<vmem>> -> memref<1x128x16xf32, #tpu.memory_space<vmem>>
        %dma_start3A_296 = tpu.memref_squeeze %dma_start3A_295 : memref<1x128x16xf32, #tpu.memory_space<vmem>> -> memref<128x16xf32, #tpu.memory_space<vmem>>
        %dma_start3A_297 = arith.constant 0 : i32
        %dma_start3A_298 = tpu.memref_slice %arg6[%add3A_268, %dma_start3A_297] : memref<200x128xi32, #tpu.memory_space<vmem>> -> memref<1x128xi32, #tpu.memory_space<vmem>>
        %dma_start3A_299 = tpu.memref_squeeze %dma_start3A_298 : memref<1x128xi32, #tpu.memory_space<vmem>> -> memref<128xi32, #tpu.memory_space<vmem>>
        %dma_start3A_300 = arith.constant 0 : i32
        %dma_start3A_301 = arith.constant 0 : i32
        %dma_start3A_302 = tpu.memref_slice %arg3[%dma_start3A_300, %dma_start3A_301] : memref<1015808x16xf32, #tpu.memory_space<hbm>> -> memref<1015808x16xf32, #tpu.memory_space<hbm>>
        tpu.enqueue_indirect_dma source(%dma_start3A_302 : memref<1015808x16xf32, #tpu.memory_space<hbm>>) target(%dma_start3A_296 : memref<128x16xf32, #tpu.memory_space<vmem>>) offsets(%dma_start3A_299 : memref<128xi32, #tpu.memory_space<vmem>>) semaphore(%arg11 : memref<!tpu.dma_semaphore, #tpu.memory_space<semaphore_mem>>)
      } else {
      }
      %add3A_274 = arith.constant 8 : i32
      %add3A_275 = arith.addi %add3A_204, %add3A_274 : i32
      %add3A_276 = arith.constant 2 : i32
      %add3A_277 = arith.addi %add3A_275, %add3A_276 : i32
      %lt3A_278 = arith.constant 200 : i32
      %lt3A_279 = arith.cmpi slt, %add3A_277, %lt3A_278 : i32
      %convert_element_type3A_280 = arith.extui %lt3A_279 : i1 to i32
      %cond3A_281 = arith.constant 0 : i32
      %cond3A_282 = arith.cmpi ne, %convert_element_type3A_280, %cond3A_281 : i32
      scf.if %cond3A_282 {
        %dma_start3A_292 = arith.constant 6 : i32
        %dma_start3A_293 = arith.constant 0 : i32
        %dma_start3A_294 = arith.constant 0 : i32
        %dma_start3A_295 = tpu.memref_slice %arg8[%dma_start3A_292, %dma_start3A_293, %dma_start3A_294] : memref<8x128x16xf32, #tpu.memory_space<vmem>> -> memref<1x128x16xf32, #tpu.memory_space<vmem>>
        %dma_start3A_296 = tpu.memref_squeeze %dma_start3A_295 : memref<1x128x16xf32, #tpu.memory_space<vmem>> -> memref<128x16xf32, #tpu.memory_space<vmem>>
        %dma_start3A_297 = arith.constant 0 : i32
        %dma_start3A_298 = tpu.memref_slice %arg6[%add3A_277, %dma_start3A_297] : memref<200x128xi32, #tpu.memory_space<vmem>> -> memref<1x128xi32, #tpu.memory_space<vmem>>
        %dma_start3A_299 = tpu.memref_squeeze %dma_start3A_298 : memref<1x128xi32, #tpu.memory_space<vmem>> -> memref<128xi32, #tpu.memory_space<vmem>>
        %dma_start3A_300 = arith.constant 0 : i32
        %dma_start3A_301 = arith.constant 0 : i32
        %dma_start3A_302 = tpu.memref_slice %arg3[%dma_start3A_300, %dma_start3A_301] : memref<1015808x16xf32, #tpu.memory_space<hbm>> -> memref<1015808x16xf32, #tpu.memory_space<hbm>>
        tpu.enqueue_indirect_dma source(%dma_start3A_302 : memref<1015808x16xf32, #tpu.memory_space<hbm>>) target(%dma_start3A_296 : memref<128x16xf32, #tpu.memory_space<vmem>>) offsets(%dma_start3A_299 : memref<128xi32, #tpu.memory_space<vmem>>) semaphore(%arg11 : memref<!tpu.dma_semaphore, #tpu.memory_space<semaphore_mem>>)
      } else {
      }
      %add3A_283 = arith.constant 8 : i32
      %add3A_284 = arith.addi %add3A_204, %add3A_283 : i32
      %add3A_285 = arith.constant 3 : i32
      %add3A_286 = arith.addi %add3A_284, %add3A_285 : i32
      %lt3A_287 = arith.constant 200 : i32
      %lt3A_288 = arith.cmpi slt, %add3A_286, %lt3A_287 : i32
      %convert_element_type3A_289 = arith.extui %lt3A_288 : i1 to i32
      %cond3A_290 = arith.constant 0 : i32
      %cond3A_291 = arith.cmpi ne, %convert_element_type3A_289, %cond3A_290 : i32
      scf.if %cond3A_291 {
        %dma_start3A_292 = arith.constant 7 : i32
        %dma_start3A_293 = arith.constant 0 : i32
        %dma_start3A_294 = arith.constant 0 : i32
        %dma_start3A_295 = tpu.memref_slice %arg8[%dma_start3A_292, %dma_start3A_293, %dma_start3A_294] : memref<8x128x16xf32, #tpu.memory_space<vmem>> -> memref<1x128x16xf32, #tpu.memory_space<vmem>>
        %dma_start3A_296 = tpu.memref_squeeze %dma_start3A_295 : memref<1x128x16xf32, #tpu.memory_space<vmem>> -> memref<128x16xf32, #tpu.memory_space<vmem>>
        %dma_start3A_297 = arith.constant 0 : i32
        %dma_start3A_298 = tpu.memref_slice %arg6[%add3A_286, %dma_start3A_297] : memref<200x128xi32, #tpu.memory_space<vmem>> -> memref<1x128xi32, #tpu.memory_space<vmem>>
        %dma_start3A_299 = tpu.memref_squeeze %dma_start3A_298 : memref<1x128xi32, #tpu.memory_space<vmem>> -> memref<128xi32, #tpu.memory_space<vmem>>
        %dma_start3A_300 = arith.constant 0 : i32
        %dma_start3A_301 = arith.constant 0 : i32
        %dma_start3A_302 = tpu.memref_slice %arg3[%dma_start3A_300, %dma_start3A_301] : memref<1015808x16xf32, #tpu.memory_space<hbm>> -> memref<1015808x16xf32, #tpu.memory_space<hbm>>
        tpu.enqueue_indirect_dma source(%dma_start3A_302 : memref<1015808x16xf32, #tpu.memory_space<hbm>>) target(%dma_start3A_296 : memref<128x16xf32, #tpu.memory_space<vmem>>) offsets(%dma_start3A_299 : memref<128xi32, #tpu.memory_space<vmem>>) semaphore(%arg11 : memref<!tpu.dma_semaphore, #tpu.memory_space<semaphore_mem>>)
      } else {
      }
    }
    %scan3A_105 = arith.constant 25 : i32
    %get3A = arith.constant 0 : i32
    %get3A_106 = arith.index_cast %get3A : i32 to index
    %get3A_107 = arith.constant 0 : index
    %get3A_108 = tpu.vector_load %arg9[%get3A_106, %get3A_107] {strides = array<i32>} : memref<1x16xf32, #tpu.memory_space<vmem>>, vector<1x16xf32>,
    %get3A_109 = vector.shape_cast %get3A_108 : vector<1x16xf32> to vector<16xf32>
    %parallel_loop3A_110 = arith.constant 0 : i32
    %parallel_loop3A_111 = arith.constant 128 : i32
    %parallel_loop3A_112 = arith.constant 1 : i32
    scf.for %parallel_loop3A_113 = %parallel_loop3A_110 to %parallel_loop3A_111 step %parallel_loop3A_112  : i32 {
      %parallel_loop3A_114 = arith.index_cast %parallel_loop3A_113 : i32 to index
      %parallel_loop3A_115 = arith.constant 0 : index
      %parallel_loop3A_116 = tpu.vector_load %arg7[%parallel_loop3A_114, %parallel_loop3A_115] {strides = array<i32>} : memref<128x16xf32, #tpu.memory_space<vmem>>, vector<1x16xf32>,
      %parallel_loop3A_117 = vector.shape_cast %parallel_loop3A_116 : vector<1x16xf32> to vector<16xf32>
      %parallel_loop3A_118 = arith.addf %parallel_loop3A_117, %get3A_109 : vector<16xf32>
      %parallel_loop3A_119 = arith.index_cast %parallel_loop3A_113 : i32 to index
      %parallel_loop3A_120 = arith.constant 0 : index
      %parallel_loop3A_121 = tpu.vector_load %arg7[%parallel_loop3A_119, %parallel_loop3A_120] {strides = array<i32>} : memref<128x16xf32, #tpu.memory_space<vmem>>, vector<1x16xf32>,
      %parallel_loop3A_122 = vector.shape_cast %parallel_loop3A_121 : vector<1x16xf32> to vector<16xf32>
      %parallel_loop3A_123 = vector.shape_cast %parallel_loop3A_118 : vector<16xf32> to vector<1x16xf32>
      tpu.vector_store %arg7[%parallel_loop3A_119, %parallel_loop3A_120], %parallel_loop3A_123 {strides = array<i32>} : memref<128x16xf32, #tpu.memory_space<vmem>>, vector<1x16xf32>,
    } {sc.loop_unroll_factor = 8 : i64, sc.parallel_access}
    "tpu.region"() ({
      %run_scoped3A = tpu.sem_alloc : memref<!tpu.dma_semaphore, #tpu.memory_space<semaphore_mem>>
      %dma_start3A_113 = arith.constant 0 : i32
      %dma_start3A_114 = arith.constant 0 : i32
      %dma_start3A_115 = tpu.memref_slice %arg7[%dma_start3A_113, %dma_start3A_114] : memref<128x16xf32, #tpu.memory_space<vmem>> -> memref<128x2xf32, #tpu.memory_space<vmem>>
      %dma_start3A_116 = arith.constant 0 : i32
      %dma_start3A_117 = tpu.memref_slice %arg5[%mul3A_2, %dma_start3A_116] : memref<4096x2xf32, #tpu.memory_space<hbm>> -> memref<128x2xf32, #tpu.memory_space<hbm>>
      %dma_start3A_118 = arith.constant 0 : i32
      %dma_start3A_119 = tpu.memref_slice %arg5[%mul3A_2, %dma_start3A_118] : memref<4096x2xf32, #tpu.memory_space<hbm>> -> memref<128x2xf32, #tpu.memory_space<hbm>>
      %dma_start3A_120 = arith.constant 0 : i32
      %dma_start3A_121 = arith.constant 0 : i32
      %dma_start3A_122 = tpu.memref_slice %arg7[%dma_start3A_120, %dma_start3A_121] : memref<128x16xf32, #tpu.memory_space<vmem>> -> memref<128x2xf32, #tpu.memory_space<vmem>>
      tpu.enqueue_dma source(%dma_start3A_122 : memref<128x2xf32, #tpu.memory_space<vmem>>) target(%dma_start3A_119 : memref<128x2xf32, #tpu.memory_space<hbm>>) target_semaphore(%run_scoped3A : memref<!tpu.dma_semaphore, #tpu.memory_space<semaphore_mem>>)
      %dma_wait3A = arith.constant 0 : i32
      %dma_wait3A_123 = arith.constant 0 : i32
      %dma_wait3A_124 = tpu.memref_slice %arg7[%dma_wait3A, %dma_wait3A_123] : memref<128x16xf32, #tpu.memory_space<vmem>> -> memref<128x2xf32, #tpu.memory_space<vmem>>
      %dma_wait3A_125 = arith.constant 0 : i32
      %dma_wait3A_126 = tpu.memref_slice %arg5[%mul3A_2, %dma_wait3A_125] : memref<4096x2xf32, #tpu.memory_space<hbm>> -> memref<128x2xf32, #tpu.memory_space<hbm>>
      %dma_wait3A_127 = arith.constant 0 : i32
      %dma_wait3A_128 = tpu.memref_slice %arg5[%mul3A_2, %dma_wait3A_127] : memref<4096x2xf32, #tpu.memory_space<hbm>> -> memref<128x2xf32, #tpu.memory_space<hbm>>
      %dma_wait3A_129 = arith.constant 0 : i32
      %dma_wait3A_130 = arith.constant 0 : i32
      %dma_wait3A_131 = tpu.memref_slice %arg7[%dma_wait3A_129, %dma_wait3A_130] : memref<128x16xf32, #tpu.memory_space<vmem>> -> memref<128x2xf32, #tpu.memory_space<vmem>>
      tpu.wait_dma2 semaphore(%run_scoped3A : memref<!tpu.dma_semaphore, #tpu.memory_space<semaphore_mem>>) src(%dma_wait3A_131 : memref<128x2xf32, #tpu.memory_space<vmem>>) dst(%dma_wait3A_128 : memref<128x2xf32, #tpu.memory_space<hbm>>)
      tpu.yield
    }) : () -> ()
    return
  }
}

module attributes {stable_mosaic.version = 14 : i64} {
  func.func @body(%arg0: memref<64x128xf32, #tpu.memory_space<vmem>>, %arg1: memref<128x64xf32, #tpu.memory_space<vmem>>, %arg2: memref<64x16xf32, #tpu.memory_space<vmem>>, %arg3: memref<1x128xf32, #tpu.memory_space<vmem>>, %arg4: memref<1x64xf32, #tpu.memory_space<vmem>>, %arg5: memref<1x16xf32, #tpu.memory_space<vmem>>, %arg6: memref<64x16xf32, #tpu.memory_space<vmem>>, %arg7: memref<1x16xf32, #tpu.memory_space<vmem>>) attributes {dimension_semantics = [], scalar_prefetch = 0 : i64, scratch_operands = 0 : i64, tpu.core_type = #tpu.core_type<tc>} {
    %get3A = arith.constant 0 : index
    %get3A_0 = arith.constant 0 : index
    %get3A_1 = vector.load %arg0[%get3A, %get3A_0] : memref<64x128xf32, #tpu.memory_space<vmem>>, vector<64x128xf32>
    %mul3A = arith.constant 5.000000e-03 : f32
    %mul3A_2 = vector.broadcast %mul3A : f32 to vector<64x128xf32>
    %mul3A_3 = arith.mulf %get3A_1, %mul3A_2 : vector<64x128xf32>
    %get3A_4 = arith.constant 0 : index
    %get3A_5 = arith.constant 0 : index
    %get3A_6 = vector.load %arg1[%get3A_4, %get3A_5] : memref<128x64xf32, #tpu.memory_space<vmem>>, vector<128x64xf32>
    %dot_general3A = arith.constant dense<0.000000e+00> : vector<64x64xf32>
    %dot_general3A_7 = tpu.matmul %mul3A_3, %get3A_6, %dot_general3A {dimension_numbers = #tpu.dot_dimension_numbers<[1], [0], [0], [1], [0, 0, 1, 1], [], []>, transpose_lhs_hint = false} : vector<64x128xf32>, vector<128x64xf32>, vector<64x64xf32> -> vector<64x64xf32>
    %get3A_8 = arith.constant 0 : index
    %get3A_9 = arith.constant 0 : index
    %get3A_10 = vector.load %arg2[%get3A_8, %get3A_9] : memref<64x16xf32, #tpu.memory_space<vmem>>, vector<64x16xf32>
    %dot_general3A_11 = arith.constant dense<0.000000e+00> : vector<64x16xf32>
    %dot_general3A_12 = tpu.matmul %dot_general3A_7, %get3A_10, %dot_general3A_11 {dimension_numbers = #tpu.dot_dimension_numbers<[1], [0], [0], [1], [0, 0, 1, 1], [], []>, transpose_lhs_hint = false} : vector<64x64xf32>, vector<64x16xf32>, vector<64x16xf32> -> vector<64x16xf32>
    %swap3A = arith.constant 0 : index
    %swap3A_13 = arith.constant 0 : index
    %swap3A_14 = vector.load %arg6[%swap3A, %swap3A_13] : memref<64x16xf32, #tpu.memory_space<vmem>>, vector<64x16xf32>
    tpu.vector_store %arg6[%swap3A, %swap3A_13], %dot_general3A_12 {strides = array<i32>} : memref<64x16xf32, #tpu.memory_space<vmem>>, vector<64x16xf32>,
    %get3A_15 = arith.constant 0 : index
    %get3A_16 = arith.constant 0 : index
    %get3A_17 = vector.load %arg3[%get3A_15, %get3A_16] : memref<1x128xf32, #tpu.memory_space<vmem>>, vector<1x128xf32>
    %get3A_18 = arith.constant 0 : index
    %get3A_19 = arith.constant 0 : index
    %get3A_20 = vector.load %arg1[%get3A_18, %get3A_19] : memref<128x64xf32, #tpu.memory_space<vmem>>, vector<128x64xf32>
    %dot_general3A_21 = arith.constant dense<0.000000e+00> : vector<1x64xf32>
    %dot_general3A_22 = tpu.matmul %get3A_17, %get3A_20, %dot_general3A_21 {dimension_numbers = #tpu.dot_dimension_numbers<[1], [0], [0], [1], [0, 0, 1, 1], [], []>, transpose_lhs_hint = false} : vector<1x128xf32>, vector<128x64xf32>, vector<1x64xf32> -> vector<1x64xf32>
    %get3A_23 = arith.constant 0 : index
    %get3A_24 = arith.constant 0 : index
    %get3A_25 = vector.load %arg4[%get3A_23, %get3A_24] : memref<1x64xf32, #tpu.memory_space<vmem>>, vector<1x64xf32>
    %add3A = arith.addf %dot_general3A_22, %get3A_25 : vector<1x64xf32>
    %get3A_26 = arith.constant 0 : index
    %get3A_27 = arith.constant 0 : index
    %get3A_28 = vector.load %arg2[%get3A_26, %get3A_27] : memref<64x16xf32, #tpu.memory_space<vmem>>, vector<64x16xf32>
    %dot_general3A_29 = arith.constant dense<0.000000e+00> : vector<1x16xf32>
    %dot_general3A_30 = tpu.matmul %add3A, %get3A_28, %dot_general3A_29 {dimension_numbers = #tpu.dot_dimension_numbers<[1], [0], [0], [1], [0, 0, 1, 1], [], []>, transpose_lhs_hint = false} : vector<1x64xf32>, vector<64x16xf32>, vector<1x16xf32> -> vector<1x16xf32>
    %get3A_31 = arith.constant 0 : index
    %get3A_32 = arith.constant 0 : index
    %get3A_33 = vector.load %arg5[%get3A_31, %get3A_32] : memref<1x16xf32, #tpu.memory_space<vmem>>, vector<1x16xf32>
    %add3A_34 = arith.addf %dot_general3A_30, %get3A_33 : vector<1x16xf32>
    %swap3A_35 = arith.constant 0 : index
    %swap3A_36 = arith.constant 0 : index
    %swap3A_37 = vector.load %arg7[%swap3A_35, %swap3A_36] : memref<1x16xf32, #tpu.memory_space<vmem>>, vector<1x16xf32>
    tpu.vector_store %arg7[%swap3A_35, %swap3A_36], %add3A_34 {strides = array<i32>} : memref<1x16xf32, #tpu.memory_space<vmem>>, vector<1x16xf32>,
    return
  }
}

module attributes {stable_mosaic.version = 14 : i64} {
  func.func @body(%arg0: i32, %arg1: memref<64x32768xf32, #tpu.memory_space<vmem>>, %arg2: memref<64x16xf32, #tpu.memory_space<vmem>>, %arg3: memref<4096x128xf32, #tpu.memory_space<vmem>>) attributes {dimension_semantics = [#tpu.dimension_semantics<arbitrary>], iteration_bounds = array<i64: 31>, scalar_prefetch = 0 : i64, scratch_operands = 0 : i64, tpu.core_type = #tpu.core_type<tc>, window_params = [{transform_indices = @transform_0, window_bounds = array<i64: 64, 32768>}, {pipeline_mode = #tpu.pipeline_mode<synchronous>, transform_indices = @transform_1, window_bounds = array<i64: 64, 16>}, {transform_indices = @transform_2, window_bounds = array<i64: 4096, 128>}]} {
    %get3A = arith.constant 0 : index
    %get3A_0 = arith.constant 0 : index
    %get3A_1 = vector.load %arg2[%get3A, %get3A_0] : memref<64x16xf32, #tpu.memory_space<vmem>>, vector<64x16xf32>
    %get3A_2 = arith.constant 0 : index
    %get3A_3 = arith.constant 0 : index
    %get3A_4 = vector.load %arg1[%get3A_2, %get3A_3] : memref<64x32768xf32, #tpu.memory_space<vmem>>, vector<64x32768xf32>
    %dot_general3A = arith.constant dense<0.000000e+00> : vector<16x32768xf32>
    %dot_general3A_5 = tpu.matmul %get3A_1, %get3A_4, %dot_general3A {dimension_numbers = #tpu.dot_dimension_numbers<[0], [0], [1], [1], [0, 1, 1, 1], [], []>, transpose_lhs_hint = false} : vector<64x16xf32>, vector<64x32768xf32>, vector<16x32768xf32> -> vector<16x32768xf32>
    %slice3A = vector.extract_strided_slice %dot_general3A_5 {offsets = [0, 0], sizes = [16, 4096], strides = [1, 1]} : vector<16x32768xf32> to vector<16x4096xf32>
    %slice3A_6 = vector.extract_strided_slice %dot_general3A_5 {offsets = [0, 4096], sizes = [16, 4096], strides = [1, 1]} : vector<16x32768xf32> to vector<16x4096xf32>
    %slice3A_7 = vector.extract_strided_slice %dot_general3A_5 {offsets = [0, 8192], sizes = [16, 4096], strides = [1, 1]} : vector<16x32768xf32> to vector<16x4096xf32>
    %slice3A_8 = vector.extract_strided_slice %dot_general3A_5 {offsets = [0, 12288], sizes = [16, 4096], strides = [1, 1]} : vector<16x32768xf32> to vector<16x4096xf32>
    %slice3A_9 = vector.extract_strided_slice %dot_general3A_5 {offsets = [0, 16384], sizes = [16, 4096], strides = [1, 1]} : vector<16x32768xf32> to vector<16x4096xf32>
    %slice3A_10 = vector.extract_strided_slice %dot_general3A_5 {offsets = [0, 20480], sizes = [16, 4096], strides = [1, 1]} : vector<16x32768xf32> to vector<16x4096xf32>
    %slice3A_11 = vector.extract_strided_slice %dot_general3A_5 {offsets = [0, 24576], sizes = [16, 4096], strides = [1, 1]} : vector<16x32768xf32> to vector<16x4096xf32>
    %slice3A_12 = vector.extract_strided_slice %dot_general3A_5 {offsets = [0, 28672], sizes = [16, 4096], strides = [1, 1]} : vector<16x32768xf32> to vector<16x4096xf32>
    %concatenate3A = tpu.concatenate %slice3A, %slice3A_6, %slice3A_7, %slice3A_8, %slice3A_9, %slice3A_10, %slice3A_11, %slice3A_12 in 0 : vector<16x4096xf32>, vector<16x4096xf32>, vector<16x4096xf32>, vector<16x4096xf32>, vector<16x4096xf32>, vector<16x4096xf32>, vector<16x4096xf32>, vector<16x4096xf32> -> vector<128x4096xf32>
    %transpose3A = tpu.transpose %concatenate3A, [1, 0] : vector<128x4096xf32> -> vector<4096x128xf32>
    %swap3A = arith.constant 0 : index
    %swap3A_13 = arith.constant 0 : index
    %swap3A_14 = vector.load %arg3[%swap3A, %swap3A_13] : memref<4096x128xf32, #tpu.memory_space<vmem>>, vector<4096x128xf32>
    tpu.vector_store %arg3[%swap3A, %swap3A_13], %transpose3A {strides = array<i32>} : memref<4096x128xf32, #tpu.memory_space<vmem>>, vector<4096x128xf32>,
    return
  }
  func.func @transform_0(%arg0: i32) -> (i32, i32) {
    %c0_i32 = arith.constant 0 : i32
    %c0_i32_0 = arith.constant 0 : i32
    return %c0_i32, %arg0 : i32, i32
  }
  func.func @transform_1(%arg0: i32) -> (i32, i32) {
    %c0_i32 = arith.constant 0 : i32
    %c0_i32_0 = arith.constant 0 : i32
    %c0_i32_1 = arith.constant 0 : i32
    return %c0_i32, %c0_i32_0 : i32, i32
  }
  func.func @transform_2(%arg0: i32) -> (i32, i32) {
    %c0_i32 = arith.constant 0 : i32
    %c0_i32_0 = arith.constant 0 : i32
    return %arg0, %c0_i32 : i32, i32
  }
}

</mosaic_0001>

<sc_bundles>
// kernel: kernel.6.cloned.1.call-start
scs
__scs_entry_jumppad:
0x0: {  	(pc) =	sbr.rel $0x88, $3  }
0x1: {  	(tag) =	ssettag $0x0;
	lr =	simm.s32 $0x1  }
0x2: {  	[smem:$0x3F99] =	sst lr;
	_ =	strace $0xD0000000  }
0x3: {  	_ = 	snop  }
0x4: {  	_ = 	snop  }
0x5: {  	_ = 	snop  }
0x6: {  	_ = 	snop  }
0x7: {  	_ = 	snop  }
__scs_overlays_trampoline_lowered:
0x8: {  	[smem:$0x3FA8] =	sst s0  }
0x9: {  	[smem:$0x3FA9] =	sst s1  }
0xa: {  	[smem:$0x3FAA] =	sst s2  }
0xb: {  	[smem:$0x3FAB] =	sst s3  }
0xc: {  	[smem:$0x3FAC] =	sst s4  }
0xd: {  	[smem:$0x3FAD] =	sst s5  }
0xe: {  	[smem:$0x3FAE] =	sst s6  }
0xf: {  	[smem:$0x3FAF] =	sst s7  }
0x10: {  	[smem:$0x3FB0] =	sst s8  }
0x11: {  	[smem:$0x3FB1] =	sst s9;
	s0 =	simm.s32 @!p0 $0x0  }
0x12: {  	s1 =	sld [smem:$0x3F97];
	s0 =	simm.s32 @p0 $0x1  }
0x13: {  	[smem:$0x3FB2] =	sst s0;
	s0 =	simm.s32 @!p1 $0x0  }
0x14: {  	s2 =	sld [smem:$0x3F96];
	s0 =	simm.s32 @p1 $0x1  }
0x15: {  	[smem:$0x3FB3] =	sst s0;
	s0 =	simm.s32 @!p2 $0x0  }
0x16: {  	s3 =	sld [smem:$0x3FDB];
	s0 =	simm.s32 @p2 $0x1  }
0x17: {  	s4 =	simm.s32 $0x1BF5;
	[smem:$0x3FB5] =	sst s0  }
0x18: {  	s0 =	sld [smem:$0x3F98];
	_ =	swait.ge [sflag:s4], $0x0  }
0x19: {  	s7 =	sld [smem:$0x3F99]  }
0x1a: {  	s8 =	sadd.s32 $0xFFFFE003, lr  }
0x1b: {  	s9 =	sadd.s32 $0xFFFFFEF7, lr;
	s5 =	simm.s32 $0xFFFFFFFF;
	p2 =	slt.u32 s8, $0xFFFFF086  }
0x1c: {  	p1 =	slt.u32 s9, $0xF7A;
	s5 =	simm.s32 @!p2 $0x0  }
0x1d: {  	s5 =	simm.s32 @p1 $0x1;
	p0 =	seq.s32 s7, s2  }
0x1e: {  	s7 =	smul.u32 @!p0 $0xF7A, s2;
	p2 =	seq.s32 @!p0 s5, $0x0  }
0x1f: {  	s9 =	smul.u32 $0xF7A, s1;
	s8 =	simm.s32 @!p0 $0x1BF5;
	p2 =	por !p2, p0  }
0x20: {  	[sflag:s8] =	ssyncset.s32 @!p0 $0xFFFFF086;
	s6 =	sadd.s32 @!p0 s3, s7;
	s7 =	simm.s32 @!p0 $0x108  }
0x21: {  	s3 =	sadd.s32 s3, s9;
	s6 =	sadd.s32 @!p0 $0x88, s6;
	s7 =	simm.s32 @p2 $0x1082  }
0x22: {  	[simem:s7], [sflag:s8] =	dma.local @!p0 [hbm:s6], $0xF7A  }
0x23: {  	s9 =	sor.u32 $0xD0000000, s2;
	s6 =	simm.s32 $0x108;
	_ =	swait.ge @!p0 [sflag:s8], $0x0  }
0x24: {  	s3 =	sadd.s32 $0x88, s3;
	s6 =	simm.s32 @!p1 $0x1082;
	[sflag:s4] =	ssyncset.s32 $0xFFFFF086  }
0x25: {  	[simem:s6], [sflag:s4] =	dma.local [hbm:s3], $0xF7A  }
0x26: {  	[smem:$0x3F99] =	sst s1;
	(tag) =	ssettag s2;
	_ =	strace s9  }
0x27: {  	s1 =	sld [smem:$0x3FA9]  }
0x28: {  	s2 =	sld [smem:$0x3FAA]  }
0x29: {  	s4 =	sld [smem:$0x3FAC]  }
0x2a: {  	p0 =	seq.s32 s5, $0x0;
	s5 =	sld [smem:$0x3FAD]  }
0x2b: {  	s6 =	sld [smem:$0x3FAE]  }
0x2c: {  	s7 =	sld [smem:$0x3FAF]  }
0x2d: {  	s3 =	simm.s32 $0x108;
	s8 =	sld [smem:$0x3FB0]  }
0x2e: {  	s3 =	simm.s32 @!p0 $0x1082;
	s9 =	sld [smem:$0x3FB1]  }
0x2f: {  	lr =	sadd.s32 s0, s3;
	s0 =	sld [smem:$0x3FA8]  }
0x30: {  	s3 =	sld [smem:$0x3FAB]  }
0x31: {  	[smem:$0x3FB4] =	sst s10  }
0x32: {  	s10 =	sld [smem:$0x3FB2];
	_ =	sdelay $0x3  }
0x33: {  	p0 =	seq.s32 s10, $0x1;
	s10 =	sld [smem:$0x3FB4];
	_ =	sdelay $0x3  }
0x34: {  	[smem:$0x3FB4] =	sst s10  }
0x35: {  	s10 =	sld [smem:$0x3FB3];
	_ =	sdelay $0x3  }
0x36: {  	p1 =	seq.s32 s10, $0x1;
	s10 =	sld [smem:$0x3FB4];
	_ =	sdelay $0x3  }
0x37: {  	[smem:$0x3FB4] =	sst s10  }
0x38: {  	s10 =	sld [smem:$0x3FB5]  }
0x39: {  	_ = 	snop;
	(pc) =	sbr.ind lr, $3  }
0x3a: {  	_ = 	snop  }
0x3b: {  	_ = 	snop  }
0x3c: {  	p2 =	seq.s32 s10, $0x1;
	s10 =	sld [smem:$0x3FB4]  }
0x3d: {  	_ =	shalt  }
0x3e: {  	_ =	shalt  }
0x3f: {  	_ =	shalt  }
0x40: {  	_ =	shalt  }
0x41: {  	_ =	shalt  }
0x42: {  	_ =	shalt  }
0x43: {  	_ =	shalt  }
0x44: {  	_ =	shalt  }
0x45: {  	_ =	shalt  }
0x46: {  	_ =	shalt  }
0x47: {  	_ =	shalt  }
0x48: {  	_ =	shalt  }
0x49: {  	_ =	shalt  }
0x4a: {  	_ =	shalt  }
0x4b: {  	_ =	shalt  }
0x4c: {  	_ =	shalt  }
0x4d: {  	_ =	shalt  }
0x4e: {  	_ =	shalt  }
0x4f: {  	_ =	shalt  }
0x50: {  	_ =	shalt  }
0x51: {  	_ =	shalt  }
0x52: {  	_ =	shalt  }
0x53: {  	_ =	shalt  }
0x54: {  	_ =	shalt  }
0x55: {  	_ =	shalt  }
0x56: {  	_ =	shalt  }
0x57: {  	_ =	shalt  }
0x58: {  	_ =	shalt  }
0x59: {  	_ =	shalt  }
0x5a: {  	_ =	shalt  }
0x5b: {  	_ =	shalt  }
0x5c: {  	_ =	shalt  }
0x5d: {  	_ =	shalt  }
0x5e: {  	_ =	shalt  }
0x5f: {  	_ =	shalt  }
0x60: {  	_ =	shalt  }
0x61: {  	_ =	shalt  }
0x62: {  	_ =	shalt  }
0x63: {  	_ =	shalt  }
0x64: {  	_ =	shalt  }
0x65: {  	_ =	shalt  }
0x66: {  	_ =	shalt  }
0x67: {  	_ =	shalt  }
0x68: {  	_ =	shalt  }
0x69: {  	_ =	shalt  }
0x6a: {  	_ =	shalt  }
0x6b: {  	_ =	shalt  }
0x6c: {  	_ =	shalt  }
0x6d: {  	_ =	shalt  }
0x6e: {  	_ =	shalt  }
0x6f: {  	_ =	shalt  }
0x70: {  	_ =	shalt  }
0x71: {  	_ =	shalt  }
0x72: {  	_ =	shalt  }
0x73: {  	_ =	shalt  }
0x74: {  	_ =	shalt  }
0x75: {  	_ =	shalt  }
0x76: {  	_ =	shalt  }
0x77: {  	_ =	shalt  }
0x78: {  	_ =	shalt  }
0x79: {  	_ =	shalt  }
0x7a: {  	_ =	shalt  }
0x7b: {  	_ =	shalt  }
0x7c: {  	_ =	shalt  }
0x7d: {  	_ =	shalt  }
0x7e: {  	_ =	shalt  }
0x7f: {  	_ =	shalt  }
0x80: {  	_ =	shalt  }
0x81: {  	_ =	shalt  }
0x82: {  	_ =	shalt  }
0x83: {  	_ =	shalt  }
0x84: {  	_ =	shalt  }
0x85: {  	_ =	shalt  }
0x86: {  	_ =	shalt  }
0x87: {  	_ =	shalt  }
.Lfunc_end0:
.L_simem_size_0:
called_computation_lowered:
.L_overlay_start_0:
0x88: {  	s2 =	sld [smem:$0x3FD9]  }
0x89: {  	s3 =	sld [smem:$0x3FFE];
	_ =	sdelay $0x1  }
0x8a: {  	s1 =	srdreg.scid  }
0x8b: {  	s0 =	sand.u32 $0x1, s1  }
0x8c: {  	s16 =	sshll.u32 s0, $0xA;
	s2 =	sadd.s32 s3, s2  }
0x8d: {  	s2 =	sadd.s32 s2, s16  }
0x8e: {  	[smem:$0x3FC0] =	sst s2  }
0x8f: {  	_ = 	snop  }
0x90: {  	(tm) =	ssettm $0x1  }
0x91: {  	s17 =	sld [smem:$0x3FFB];
	_ =	sdelay $0x3  }
0x92: {  	_ =	strace s17  }
0x93: {  	s2 =	sld [smem:$0x3FFC];
	_ =	sdelay $0x3  }
0x94: {  	_ =	strace s2  }
0x95: {  	s2 =	sld [smem:$0x3FFD];
	_ =	sdelay $0x3  }
0x96: {  	_ =	strace s2  }
0x97: {  	_ =	strace $0x8FFFFFFF  }
0x98: {  	s18 =	sld [smem:$0x3FDB];
	_ =	sdelay $0x1  }
0x99: {  	s19 =	simm.s32 $_scs_section_size  }
0x9a: {  	s4 =	simm.s32 $_size__tile_overlayer_lowered;
	s5 =	simm.s32 $_tile_overlayer_lowered  }
0x9b: {  	s22 =	simm.s32 $0x1BFF;
	s21 =	sshll.u32 s5, $0x1;
	s2 =	sadd.s32 s19, s18  }
0x9c: {  	s6 =	simm.s32 $0x0;
	s20 =	sshll.u32 s4, $0x1;
	s4 =	sadd.s32 s21, s2  }
0x9d: {  	[timem:s6], [sflag:s22] =	dma.local [hbm:s4], s20  }
0x9e: {  	_ =	swait.ge [sflag:s22], s20  }
0x9f: {  	s3 =	ssub.s32 $0x0, s20;
	[sflag:s22] =	ssyncset.done $0x0  }
0xa0: {  	[sflag:s22] =	ssyncadd.s32 s3;
	_ =	sdelay $0x1  }
0xa1: {  	s23 =	simm.s32 $0x1B8B  }
0xa2: {  	_ =	swait.ge [sflag:s23], $0x1  }
0xa3: {  	[sflag:s23] =	ssyncset.done $0x0  }
0xa4: {  	s25 =	simm.s32 $0x1B8E;
	s24 =	sld [smem:$0x3FFE];
	[sflag:s23] =	ssyncadd.s32 $0xFFFFFFFF  }
0xa5: {  	s26 =	simm.s32 $execute0_lowered;
	[smem:$0x3FD2] =	sst s25  }
0xa6: {  	s4 =	sshll.u32 s26, $0x1;
	_ =	strace $0x80000046;
	[dreg:$0x1] =	wrdreg $0xFFFFFFFF  }
0xa7: {  	s28 =	simm.s32 $_size_execute0_lowered;
	s2 =	sadd.s32 s2, s4;
	[dreg:$0x0] =	wrdreg $0x0  }
0xa8: {  	s4 =	sshll.u32 s28, $0x1;
	[dreg:$0x2] =	wrdreg s2  }
0xa9: {  	[dreg:$0x3] =	wrdreg s4  }
0xaa: {  	[dreg:$0x4] =	wrdreg $0xC0  }
0xab: {  	_ =	task [dreg:s6], $0x5FFFF  }
0xac: {  	[dreg:$0x1] =	wrdreg $0xFFFFFFFF  }
0xad: {  	[dreg:$0x0] =	wrdreg $0x60  }
0xae: {  	[dreg:$0x2] =	wrdreg s24  }
0xaf: {  	[dreg:$0x3] =	wrdreg $0x9  }
0xb0: {  	_ =	task.clear_ibuf [dreg:s6], $0x4FFFF;
	_ =	strace $0x90000046  }
0xb1: {  	s29 =	simm.s32 $0x9;
	_ =	strace $0x80000048  }
0xb2: {  	_ =	swait.ge [sflag:s29], $0x1  }
0xb3: {  	[sflag:s29] =	ssyncadd.s32 $0xFFFFFFFF  }
0xb4: {  	_ =	strace $0x90000048  }
0xb5: {  	_ =	sfence  }
0xb6: {  	s30 =	sld [smem:$0x0];
	_ =	sdelay $0x2  }
0xb7: {  	s31 =	sshll.u32 s1, $0xD;
	s1 =	sshrl.u32 s1, $0x2  }
0xb8: {  	s3 =	sand.u32 $0x4000, s31;
	s1 =	sadd.s32 s1, s30  }
0xb9: {  	s0 =	sor.u32 s3, s0;
	s1 =	sshll.u32 s1, $0x11  }
0xba: {  	s0 =	sor.u32 s1, s0  }
0xbb: {  	s0 =	sadd.s32 $0x8F2B, s0  }
0xbc: {  	[sflag:s0] =	ssyncadd.remote.s32 $0x1  }
0xbd: {  	_ =	sfence.sel $0xFFFF  }
0xbe: {  	[dreg:$0x0] =	wrdreg $0xFFFFFFFF;
	(pc) =	sbr.abs _section_cstart, $3  }
0xbf: {  	[dreg:$0x1] =	wrdreg $0xFFFFFFFF  }
0xc0: {  	_ =	task.clear_ibuf [dreg:s6], $0x2FFFF;
	_ =	strace $0x9FFFFFFF  }
0xc1: {  	(tm) =	ssettm $0x7FFFFFFF  }
tec
execute0_lowered:
.L_overlay_start_1:
0x0: {  	(tag) =	ssettag $0x1  }
0x1: {  	s3 =	rddreg [dreg:$0x0]  }
0x2: {  	s0 =	rddreg [dreg:$0x1];
	s4 =	srdreg.scid  }
0x3: {  	s1 =	stileid.u32;
	s2 =	simm.s32 $0x0;
	s8 =	simm.s32 $0x1  }
0x4: {  	s9 =	simm.s32 $0x0;
	s4 =	sand.u32 $0x1, s4;
	s5 =	sshll.u32 s1, $0x1  }
0x5: {  	[smem:$0x7FF] =	sst s2;
	s5 =	sor.u32 s4, s5;
	s4 =	ssub.s32 $0x2, s4  }
0x6: {  	s6 =	sshll.u32 s5, $0x4;
	s5 =	smul.u32 $0xC80, s5;
	s7 =	sshrl.u32 s4, $0x1  }
0x7: {  	_ =	strace $0x80000047;
	s6 =	sadd.s32 s6, s3;
	s7 =	ssub.s32 s4, s7  }
0x8: {  	s5 =	sadd.s32 s5, s3;
	s3 =	sadd.s32 $0x1800, s6;
	s6 =	simm.s32 $0x80  }
0x9: {  	s4 =	sadd.s32 $0x1A800, s5;
	s5 =	smax.u32 s7, $0x1;
	s7 =	simm.s32 $0x1000  }
.LBB2_1:
0xa: {  	[tilespmem:s2], [sflag:$0x1] =	stream.strided.gather [hbm4b:s3+s6], $0x6400, s7, s6, $0x38;
	[tilespmem:$0x6400] =	vst v63  }
0xb: {  	_ =	swait.ge [sflag:s8], $0x6400  }
0xc: {  	[sflag:s8] =	ssyncset.done $0x0  }
0xd: {  	s10 =	simm.s32 $0x100;
	[sflag:s8] =	ssyncadd.s32 $0xFFFF9C00  }
0xe: {  	v0 =	vld [tilespmem:s10+$0xF0]  }
0xf: {  	v32 =	vld [tilespmem:s10+$0xFFFFFF10]  }
0x10: {  	v31 =	vld [tilespmem:s10+$0xFFFFFF20]  }
0x11: {  	v25 =	vld [tilespmem:s10+$0xFFFFFF30]  }
0x12: {  	v26 =	vld [tilespmem:s10+$0xFFFFFF40]  }
0x13: {  	v27 =	vld [tilespmem:s10+$0xFFFFFF50]  }
0x14: {  	v18 =	vld [tilespmem:s10+$0xFFFFFF60]  }
0x15: {  	v19 =	vld [tilespmem:s10+$0xFFFFFF70]  }
0x16: {  	v20 =	vld [tilespmem:s10+$0xFFFFFF80]  }
0x17: {  	v21 =	vld [tilespmem:s10+$0xFFFFFFA0]  }
0x18: {  	v22 =	vld [tilespmem:s10+$0xFFFFFFB0]  }
0x19: {  	v17 =	vld [tilespmem:s10+$0xFFFFFFC0]  }
0x1a: {  	v23 =	vld [tilespmem:s10+$0xFFFFFFD0];
	v1 =	vshll.u32 v0, $0x3;
	v2 =	vand.u32 $0xFFFF8000, v0  }
0x1b: {  	v0 =	vshrl.u32 v0, $0xC;
	v4 =	vshll.u32 v32, $0x3;
	v5 =	vshll.u32 v25, $0x3  }
0x1c: {  	v6 =	vshll.u32 v27, $0x3;
	v7 =	vand.u32 $0xFFFF8000, v32;
	v8 =	vshll.u32 v18, $0x3  }
0x1d: {  	v9 =	vshll.u32 v19, $0x3;
	v10 =	vshll.u32 v20, $0x3;
	v11 =	vand.u32 $0xFFFF8000, v31  }
0x1e: {  	v12 =	vld [tilespmem:s10+$0xFFFFFF90];
	[tilespmem:$0x1FF70] =	vst v18;
	v13 =	vand.u32 $0xFFFF8000, v25;
	v14 =	vshll.u32 v21, $0x3;
	v15 =	vshll.u32 v22, $0x3  }
0x1f: {  	v16 =	vand.u32 $0xFFFF8000, v26;
	v35 =	vshll.u32 v17, $0x3;
	v36 =	vshll.u32 v23, $0x3;
	v28 =	vld [tilespmem:s10+$0xFFFFFFE0];
	[tilespmem:$0x1FF80] =	vst v19  }
0x20: {  	v43 =	vand.u32 $0xFFFF8000, v27;
	v3 =	vand.u32 $0x7FF8, v1;
	v1 =	vand.u32 $0x7FF8, v8;
	[tilespmem:$0x1FF90] =	vst v20  }
0x21: {  	v46 =	vand.u32 $0xFFFF8000, v18;
	v52 =	vand.u32 $0xFFFF8000, v20;
	v0 =	vand.u32 $0x7, v0;
	[tilespmem:$0x1FF50] =	vst v1  }
0x22: {  	v5 =	vand.u32 $0x7FF8, v5;
	v6 =	vand.u32 $0x7FF8, v6;
	v51 =	vand.u32 $0x7FF8, v9;
	v24 =	vld [tilespmem:s10+$0xFFFFFFF0]  }
0x23: {  	v8 =	vand.u32 $0x7FF8, v10;
	v14 =	vand.u32 $0x7FF8, v14;
	v61 =	vand.u32 $0x7FF8, v15;
	v29 =	vld [tilespmem:s10+$0x0];
	[tilespmem:$0x1FFB0] =	vst v12  }
0x24: {  	v49 =	vand.u32 $0x7FF8, v35;
	v44 =	vand.u32 $0x7FF8, v36;
	v2 =	vor.u32 v2, v3;
	[tilespmem:$0x1FFC0] =	vst v21  }
0x25: {  	v3 =	vshll.u32 v31, $0x3;
	v5 =	vor.u32 v13, v5;
	v43 =	vor.u32 v43, v6;
	v30 =	vld [tilespmem:s10+$0x10]  }
0x26: {  	v52 =	vor.u32 v52, v8;
	v0 =	vor.u32 v0, v2;
	v2 =	vand.u32 $0x7FF8, v4;
	v33 =	vld [tilespmem:s10+$0x20]  }
0x27: {  	v3 =	vand.u32 $0x7FF8, v3;
	v4 =	vshll.u32 v26, $0x3;
	v10 =	vmovc v12;
	v12 =	vshll.u32 v12, $0x3;
	v34 =	vld [tilespmem:s10+$0x30]  }
0x28: {  	v4 =	vand.u32 $0x7FF8, v4;
	v12 =	vand.u32 $0x7FF8, v12;
	v35 =	vld [tilespmem:s10+$0x40];
	[tilespmem:s10+$0xF0] =	vst v0;
	v0 =	vand.u32 $0xFFFF8000, v19  }
0x29: {  	v1 =	vmovc v17;
	v36 =	vld [tilespmem:s10+$0x50];
	v56 =	vand.u32 $0xFFFF8000, v10;
	v20 =	vor.u32 v7, v2;
	v2 =	vand.u32 $0xFFFF8000, v21  }
0x2a: {  	v42 =	vld [tilespmem:s10+$0xFFFFFF00];
	v18 =	vor.u32 v16, v4;
	v16 =	vor.u32 v0, v51;
	v0 =	vand.u32 $0xFFFF8000, v1  }
0x2b: {  	v63 =	vld [tilespmem:s10+$0xB0];
	v15 =	vor.u32 v11, v3;
	v37 =	vshll.u32 v28, $0x3;
	v0 =	vor.u32 v0, v49  }
0x2c: {  	v45 =	vand.u32 $0x7FF8, v37;
	v37 =	vld [tilespmem:s10+$0x60];
	v38 =	vshll.u32 v24, $0x3;
	v39 =	vshll.u32 v29, $0x3  }
0x2d: {  	v47 =	vand.u32 $0x7FF8, v38;
	v48 =	vand.u32 $0x7FF8, v39;
	v54 =	vshll.u32 v30, $0x3;
	v38 =	vld [tilespmem:s10+$0x70]  }
0x2e: {  	v55 =	vshll.u32 v33, $0x3;
	v40 =	vshll.u32 v34, $0x3;
	v39 =	vld [tilespmem:s10+$0x80];
	v41 =	vshll.u32 v35, $0x3  }
0x2f: {  	v58 =	vshll.u32 v42, $0x3;
	v60 =	vand.u32 $0xFFFF8000, v42;
	v53 =	vand.u32 $0x7FF8, v40;
	v40 =	vld [tilespmem:s10+$0x90]  }
0x30: {  	v50 =	vand.u32 $0x7FF8, v54;
	v54 =	vand.u32 $0x7FF8, v41;
	v41 =	vld [tilespmem:s10+$0xA0];
	v58 =	vand.u32 $0x7FF8, v58  }
0x31: {  	v9 =	vand.u32 $0x7FF8, v55;
	v55 =	vshll.u32 v36, $0x3;
	v19 =	vor.u32 v60, v58;
	v58 =	vld [tilespmem:s10+$0xC0]  }
0x32: {  	v55 =	vand.u32 $0x7FF8, v55;
	[tilespmem:$0x1FF60] =	vst v5;
	v5 =	vand.u32 $0xFFFF8000, v22;
	v57 =	vshll.u32 v37, $0x3  }
0x33: {  	v21 =	vld [tilespmem:s10+$0xD0];
	[tilespmem:$0x1FFF0] =	vst v0;
	v0 =	vand.u32 $0xFFFF8000, v24;
	v57 =	vand.u32 $0x7FF8, v57;
	v59 =	vshll.u32 v38, $0x3  }
0x34: {  	v62 =	vshll.u32 v39, $0x3;
	v10 =	vand.u32 $0x7FF8, v59;
	v3 =	vshll.u32 v40, $0x3  }
0x35: {  	v59 =	vand.u32 $0x7FF8, v62;
	v4 =	vshll.u32 v41, $0x3;
	v6 =	vand.u32 $0x7FF8, v3  }
0x36: {  	v17 =	vand.u32 $0x7FF8, v4;
	v3 =	vld [tilespmem:$0x1FF50];
	v4 =	vshll.u32 v63, $0x3;
	v8 =	vshll.u32 v58, $0x3  }
0x37: {  	v62 =	vmovc v1;
	v7 =	vand.u32 $0x7FF8, v8;
	v1 =	vor.u32 v56, v12;
	v56 =	vor.u32 v5, v61  }
0x38: {  	[tilespmem:$0x1FFD0] =	vst v1;
	v1 =	vor.u32 v2, v14;
	v2 =	vand.u32 $0xFFFF8000, v23;
	v14 =	vor.u32 v0, v47  }
0x39: {  	v0 =	vand.u32 $0xFFFF8000, v33;
	v44 =	vor.u32 v2, v44;
	v2 =	vand.u32 $0xFFFF8000, v29  }
0x3a: {  	v11 =	vor.u32 v0, v9;
	v0 =	vand.u32 $0xFFFF8000, v36;
	v60 =	vor.u32 v2, v48  }
0x3b: {  	v2 =	vand.u32 $0xFFFF8000, v34;
	v12 =	vor.u32 v0, v55;
	v3 =	vor.u32 v46, v3  }
0x3c: {  	v0 =	vand.u32 $0xFFFF8000, v38;
	[tilespmem:$0x1FFA0] =	vst v3;
	v3 =	vand.u32 $0x7FF8, v4;
	v4 =	vshll.u32 v21, $0x3  }
0x3d: {  	[tilespmem:$0x1FFE0] =	vst v1;
	v51 =	vor.u32 v2, v53;
	v1 =	vand.u32 $0x7FF8, v4;
	v4 =	vand.u32 $0xFFFF8000, v28  }
0x3e: {  	v13 =	vor.u32 v0, v10;
	v0 =	vand.u32 $0xFFFF8000, v40;
	v8 =	vor.u32 v4, v45;
	v45 =	vld [tilespmem:s10+$0xE0]  }
0x3f: {  	v2 =	vand.u32 $0xFFFF8000, v37;
	v46 =	vor.u32 v0, v6;
	v4 =	vand.u32 $0xFFFF8000, v30  }
0x40: {  	v61 =	vor.u32 v4, v50;
	v50 =	vor.u32 v2, v57;
	v2 =	vand.u32 $0xFFFF8000, v39  }
0x41: {  	v0 =	vand.u32 $0xFFFF8000, v63;
	v47 =	vor.u32 v2, v59;
	v2 =	vand.u32 $0xFFFF8000, v41  }
0x42: {  	v9 =	vor.u32 v0, v3;
	v48 =	vor.u32 v2, v17;
	v17 =	vand.u32 $0xFFFF8000, v58  }
0x43: {  	v10 =	vor.u32 v17, v7;
	v7 =	vand.u32 $0xFFFF8000, v21;
	v0 =	vshll.u32 v45, $0x3  }
0x44: {  	v49 =	vor.u32 v7, v1;
	v1 =	vand.u32 $0xFFFF8000, v45;
	v0 =	vand.u32 $0x7FF8, v0  }
0x45: {  	v2 =	vld [tilespmem:$0x1FF60];
	v6 =	vor.u32 v1, v0;
	v1 =	vshrl.u32 v32, $0xC  }
0x46: {  	v31 =	vshrl.u32 v31, $0xC;
	v4 =	vand.u32 $0xFFFF8000, v35;
	v1 =	vand.u32 $0x7, v1  }
0x47: {  	v54 =	vor.u32 v4, v54;
	v4 =	vor.u32 v1, v20;
	v1 =	vand.u32 $0x7, v31  }
0x48: {  	v5 =	vor.u32 v1, v15;
	v1 =	vshrl.u32 v25, $0xC  }
0x49: {  	v1 =	vand.u32 $0x7, v1  }
0x4a: {  	v7 =	vor.u32 v1, v2;
	v2 =	vld [tilespmem:$0x1FF80]  }
0x4b: {  	v17 =	vshrl.u32 v42, $0xC  }
0x4c: {  	v17 =	vand.u32 $0x7, v17  }
0x4d: {  	v0 =	vor.u32 v17, v19;
	v17 =	vshrl.u32 v26, $0xC  }
0x4e: {  	v17 =	vand.u32 $0x7, v17  }
0x4f: {  	v42 =	vor.u32 v17, v18;
	v17 =	vshrl.u32 v2, $0xC;
	v2 =	vld [tilespmem:$0x1FF90]  }
0x50: {  	v25 =	vshrl.u32 v27, $0xC  }
0x51: {  	v1 =	vand.u32 $0x7, v25  }
0x52: {  	v31 =	vor.u32 v1, v43;
	v1 =	vld [tilespmem:$0x1FF70];
	_ =	sdelay $0x1  }
0x53: {  	v18 =	vshrl.u32 v2, $0xC;
	v2 =	vld [tilespmem:$0x1FFA0];
	_ =	sdelay $0x2  }
0x54: {  	v1 =	vshrl.u32 v1, $0xC  }
0x55: {  	v1 =	vand.u32 $0x7, v1  }
0x56: {  	v32 =	vor.u32 v1, v2;
	v2 =	vld [tilespmem:$0x1FFC0];
	_ =	sdelay $0x1  }
0x57: {  	v1 =	vand.u32 $0x7, v18  }
0x58: {  	v25 =	vor.u32 v1, v52;
	v1 =	vld [tilespmem:$0x1FFB0]  }
0x59: {  	v17 =	vand.u32 $0x7, v17  }
0x5a: {  	v27 =	vor.u32 v17, v16;
	v17 =	vshrl.u32 v2, $0xC;
	v2 =	vld [tilespmem:$0x1FFD0];
	_ =	sdelay $0x2  }
0x5b: {  	v1 =	vshrl.u32 v1, $0xC  }
0x5c: {  	v1 =	vand.u32 $0x7, v1  }
0x5d: {  	v26 =	vor.u32 v1, v2;
	v1 =	vld [tilespmem:$0x1FFE0];
	_ =	sdelay $0x1  }
0x5e: {  	v3 =	vshrl.u32 v41, $0xC  }
0x5f: {  	v57 =	vshrl.u32 v37, $0xC;
	v59 =	vshrl.u32 v38, $0xC;
	v21 =	vshrl.u32 v21, $0xC  }
0x60: {  	v15 =	vshrl.u32 v45, $0xC;
	v18 =	vshrl.u32 v22, $0xC;
	v17 =	vand.u32 $0x7, v17  }
0x61: {  	v22 =	vshrl.u32 v28, $0xC;
	v28 =	vshrl.u32 v33, $0xC;
	v20 =	vor.u32 v17, v1  }
0x62: {  	v1 =	vand.u32 $0x7, v18;
	v17 =	vshrl.u32 v23, $0xC;
	v23 =	vshrl.u32 v29, $0xC  }
0x63: {  	v2 =	vld [tilespmem:$0x1FFF0];
	v29 =	vshrl.u32 v34, $0xC;
	v34 =	vand.u32 $0x7, v59;
	v18 =	vor.u32 v1, v56  }
0x64: {  	v1 =	vshrl.u32 v62, $0xC;
	v17 =	vand.u32 $0x7, v17;
	v56 =	vshrl.u32 v36, $0xC  }
0x65: {  	v62 =	vshrl.u32 v63, $0xC;
	v63 =	vshrl.u32 v58, $0xC;
	v41 =	vand.u32 $0x7, v23  }
0x66: {  	v36 =	vand.u32 $0x7, v28;
	v38 =	vand.u32 $0x7, v29;
	v29 =	vand.u32 $0x7, v3  }
0x67: {  	v23 =	vand.u32 $0x7, v21;
	v21 =	vand.u32 $0x7, v15;
	v1 =	vand.u32 $0x7, v1  }
0x68: {  	v17 =	vor.u32 v17, v44;
	v33 =	vand.u32 $0x7, v56;
	v19 =	vor.u32 v1, v2  }
0x69: {  	v1 =	vand.u32 $0x7, v22;
	v22 =	vshrl.u32 v24, $0xC;
	v24 =	vshrl.u32 v30, $0xC  }
0x6a: {  	[tilespmem:s10+$0xFFFFFF00] =	vst v0;
	v30 =	vshrl.u32 v35, $0xC;
	v2 =	vshrl.u32 v40, $0xC;
	v35 =	vand.u32 $0x7, v57  }
0x6b: {  	[tilespmem:s10+$0xFFFFFF10] =	vst v4;
	v1 =	vor.u32 v1, v8;
	v8 =	vshrl.u32 v39, $0xC;
	v40 =	vand.u32 $0x7, v22  }
0x6c: {  	[tilespmem:s10+$0xFFFFFF20] =	vst v5;
	v39 =	vand.u32 $0x7, v24;
	v37 =	vand.u32 $0x7, v30;
	v30 =	vand.u32 $0x7, v2  }
0x6d: {  	s11 =	simm.s32 $0x0;
	s12 =	simm.s32 $0x300;
	[tilespmem:s10+$0xFFFFFF30] =	vst v7;
	v22 =	vand.u32 $0x7, v62;
	v24 =	vand.u32 $0x7, v63;
	v28 =	vand.u32 $0x7, v8  }
.LBB2_2:
0x6e: {  	[tilespmem:s10+$0xFFFFFF40] =	vst v42  }
0x6f: {  	[tilespmem:s10+$0xFFFFFF50] =	vst v31  }
0x70: {  	[tilespmem:s10+$0xFFFFFF60] =	vst v32  }
0x71: {  	[tilespmem:s10+$0xFFFFFF70] =	vst v27  }
0x72: {  	[tilespmem:s10+$0xFFFFFF80] =	vst v25  }
0x73: {  	v43 =	vld [tilespmem:s12+$0xF0];
	[tilespmem:s10+$0xFFFFFF90] =	vst v26  }
0x74: {  	[tilespmem:s10+$0xFFFFFFA0] =	vst v20;
	v55 =	vld [tilespmem:s12+$0xFFFFFF10]  }
0x75: {  	v31 =	vor.u32 v36, v11;
	[tilespmem:s10+$0xFFFFFFB0] =	vst v18;
	v11 =	vld [tilespmem:s12+$0xFFFFFF20]  }
0x76: {  	v57 =	vor.u32 v33, v12;
	[tilespmem:s10+$0xFFFFFFC0] =	vst v19;
	v12 =	vld [tilespmem:s12+$0xFFFFFF30]  }
0x77: {  	v15 =	vor.u32 v41, v60;
	v45 =	vld [tilespmem:s12+$0xFFFFFFA0];
	[tilespmem:s10+$0xFFFFFFD0] =	vst v17  }
0x78: {  	v16 =	vor.u32 v39, v61;
	v27 =	vld [tilespmem:s12+$0xFFFFFF40];
	[tilespmem:s10+$0x0] =	vst v15  }
0x79: {  	v25 =	vor.u32 v22, v9;
	v22 =	vld [tilespmem:s12+$0xFFFFFF50];
	[tilespmem:s10+$0x10] =	vst v16  }
0x7a: {  	v59 =	vor.u32 v29, v48;
	v29 =	vor.u32 v21, v6;
	v21 =	vld [tilespmem:s12+$0xFFFFFF60];
	[tilespmem:s10+$0x20] =	vst v31  }
0x7b: {  	v56 =	vor.u32 v38, v51;
	v30 =	vor.u32 v30, v46;
	v46 =	vld [tilespmem:s12+$0xFFFFFFB0];
	[tilespmem:s10+$0xFFFFFFE0] =	vst v1  }
0x7c: {  	v14 =	vor.u32 v40, v14;
	v60 =	vor.u32 v23, v49;
	v49 =	vld [tilespmem:s12+$0x0];
	[tilespmem:s10+$0x30] =	vst v56  }
0x7d: {  	v37 =	vor.u32 v37, v54;
	v58 =	vor.u32 v35, v50;
	v34 =	vor.u32 v34, v13;
	v39 =	vld [tilespmem:s12+$0xFFFFFFC0];
	[tilespmem:s10+$0xFFFFFFF0] =	vst v14  }
0x7e: {  	v50 =	vld [tilespmem:s12+$0x10];
	[tilespmem:s10+$0x40] =	vst v37;
	v2 =	vshll.u32 v43, $0x3;
	v0 =	vand.u32 $0xFFFF8000, v43;
	v3 =	vshrl.u32 v43, $0xC  }
0x7f: {  	v37 =	vld [tilespmem:s12+$0x20];
	[tilespmem:s10+$0x50] =	vst v57;
	v2 =	vand.u32 $0x7FF8, v2;
	v4 =	vshll.u32 v55, $0x3;
	v3 =	vand.u32 $0x7, v3  }
0x80: {  	v51 =	vld [tilespmem:s12+$0x30];
	[tilespmem:s10+$0x60] =	vst v58;
	v6 =	vshll.u32 v12, $0x3;
	v0 =	vor.u32 v0, v2;
	v19 =	vand.u32 $0x7FF8, v4  }
0x81: {  	v38 =	vld [tilespmem:s12+$0x40];
	[tilespmem:s10+$0x70] =	vst v34;
	v4 =	vshll.u32 v27, $0x3;
	v3 =	vor.u32 v3, v0;
	v0 =	vand.u32 $0x7FF8, v6  }
0x82: {  	v42 =	vld [tilespmem:s12+$0xFFFFFF70];
	v5 =	vshll.u32 v11, $0x3;
	[tilespmem:$0x1FC90] =	vst v0;
	v0 =	vand.u32 $0x7FF8, v4  }
0x83: {  	v18 =	vand.u32 $0x7FF8, v5;
	v5 =	vshll.u32 v22, $0x3;
	[tilespmem:$0x1FCB0] =	vst v0;
	v0 =	vand.u32 $0xFFFF8000, v55  }
0x84: {  	v61 =	vld [tilespmem:s12+$0xFFFFFF80];
	[tilespmem:$0x1FC70] =	vst v0;
	v0 =	vand.u32 $0x7FF8, v5  }
0x85: {  	v6 =	vshll.u32 v21, $0x3;
	[tilespmem:$0x1FCD0] =	vst v0;
	v0 =	vshrl.u32 v55, $0xC  }
0x86: {  	v44 =	vld [tilespmem:s12+$0xFFFFFF90];
	[tilespmem:$0x1FE30] =	vst v0;
	v0 =	vand.u32 $0x7FF8, v6  }
0x87: {  	v8 =	vshll.u32 v42, $0x3;
	[tilespmem:$0x1FCF0] =	vst v0;
	v0 =	vand.u32 $0xFFFF8000, v11  }
0x88: {  	[tilespmem:$0x1FC80] =	vst v0;
	v0 =	vand.u32 $0x7FF8, v8  }
0x89: {  	v9 =	vshll.u32 v61, $0x3;
	[tilespmem:$0x1FD10] =	vst v0;
	v0 =	vshrl.u32 v11, $0xC  }
0x8a: {  	[tilespmem:$0x1FE40] =	vst v0;
	v0 =	vand.u32 $0x7FF8, v9  }
0x8b: {  	v11 =	vshll.u32 v44, $0x3;
	[tilespmem:$0x1FD30] =	vst v0;
	v0 =	vand.u32 $0xFFFF8000, v12  }
0x8c: {  	[tilespmem:$0x1FCA0] =	vst v0;
	v0 =	vand.u32 $0x7FF8, v11  }
0x8d: {  	v14 =	vshll.u32 v45, $0x3;
	[tilespmem:$0x1FD40] =	vst v0;
	v0 =	vshrl.u32 v12, $0xC  }
0x8e: {  	v35 =	vld [tilespmem:s12+$0xFFFFFFD0];
	[tilespmem:$0x1FE50] =	vst v0;
	v0 =	vand.u32 $0x7FF8, v14  }
0x8f: {  	v14 =	vshll.u32 v46, $0x3;
	[tilespmem:$0x1FD50] =	vst v0;
	v0 =	vand.u32 $0xFFFF8000, v27  }
0x90: {  	v28 =	vor.u32 v28, v47;
	v47 =	vld [tilespmem:s12+$0xFFFFFFE0];
	[tilespmem:$0x1FCC0] =	vst v0;
	v0 =	vand.u32 $0x7FF8, v14  }
0x91: {  	v15 =	vshll.u32 v39, $0x3;
	[tilespmem:$0x1FD60] =	vst v0;
	v0 =	vshrl.u32 v27, $0xC  }
0x92: {  	v48 =	vld [tilespmem:s12+$0xFFFFFFF0];
	[tilespmem:$0x1FE60] =	vst v0;
	v0 =	vand.u32 $0x7FF8, v15  }
0x93: {  	v20 =	vshll.u32 v35, $0x3;
	[tilespmem:$0x1FD70] =	vst v0;
	v0 =	vand.u32 $0xFFFF8000, v22  }
0x94: {  	[tilespmem:$0x1FCE0] =	vst v0;
	v0 =	vand.u32 $0x7FF8, v20  }
0x95: {  	v41 =	vor.u32 v24, v10;
	v24 =	vshll.u32 v47, $0x3;
	[tilespmem:$0x1FD80] =	vst v0;
	v0 =	vshrl.u32 v22, $0xC  }
0x96: {  	[tilespmem:$0x1FE70] =	vst v0;
	v0 =	vand.u32 $0x7FF8, v24  }
0x97: {  	v22 =	vshll.u32 v48, $0x3;
	[tilespmem:$0x1FD90] =	vst v0;
	v0 =	vand.u32 $0xFFFF8000, v21  }
0x98: {  	[tilespmem:$0x1FD00] =	vst v0;
	v0 =	vand.u32 $0x7FF8, v22  }
0x99: {  	v22 =	vshll.u32 v49, $0x3;
	[tilespmem:$0x1FDA0] =	vst v0;
	v0 =	vshrl.u32 v21, $0xC  }
0x9a: {  	[tilespmem:$0x1FE80] =	vst v0;
	v0 =	vand.u32 $0x7FF8, v22  }
0x9b: {  	v22 =	vshll.u32 v50, $0x3;
	[tilespmem:$0x1FDB0] =	vst v0;
	v0 =	vand.u32 $0xFFFF8000, v42  }
0x9c: {  	v52 =	vld [tilespmem:s12+$0x50];
	[tilespmem:$0x1FD20] =	vst v0;
	v0 =	vand.u32 $0x7FF8, v22  }
0x9d: {  	v62 =	vshll.u32 v37, $0x3;
	[tilespmem:$0x1FDC0] =	vst v0;
	v0 =	vshrl.u32 v42, $0xC  }
0x9e: {  	v53 =	vld [tilespmem:s12+$0x60];
	v63 =	vshll.u32 v51, $0x3;
	[tilespmem:$0x1FE90] =	vst v0;
	v0 =	vand.u32 $0x7FF8, v62  }
0x9f: {  	v54 =	vld [tilespmem:s12+$0x70];
	[tilespmem:$0x1FDD0] =	vst v0;
	v0 =	vand.u32 $0x7FF8, v63  }
0xa0: {  	v55 =	vshll.u32 v38, $0x3;
	[tilespmem:$0x1FDE0] =	vst v0;
	v0 =	vshrl.u32 v61, $0xC  }
0xa1: {  	v36 =	vshll.u32 v52, $0x3;
	[tilespmem:$0x1FEA0] =	vst v0;
	v0 =	vand.u32 $0x7FF8, v55  }
0xa2: {  	[tilespmem:$0x1FDF0] =	vst v0;
	v0 =	vand.u32 $0x7FF8, v36  }
0xa3: {  	v43 =	vshll.u32 v53, $0x3;
	[tilespmem:$0x1FE00] =	vst v0;
	v0 =	vshrl.u32 v44, $0xC  }
0xa4: {  	v57 =	vand.u32 $0xFFFF8000, v44;
	v44 =	vshll.u32 v54, $0x3;
	[tilespmem:$0x1FEB0] =	vst v0;
	v0 =	vand.u32 $0x7FF8, v43  }
0xa5: {  	[tilespmem:$0x1FE10] =	vst v0;
	v0 =	vand.u32 $0x7FF8, v44  }
0xa6: {  	[tilespmem:$0x1FE20] =	vst v0;
	v0 =	vshrl.u32 v45, $0xC  }
0xa7: {  	[tilespmem:$0x1FEC0] =	vst v0;
	v0 =	vld [tilespmem:s12+$0xFFFFFF00];
	_ =	sdelay $0x2  }
0xa8: {  	v2 =	vshrl.u32 v46, $0xC  }
0xa9: {  	[tilespmem:$0x1FED0] =	vst v2;
	v2 =	vshrl.u32 v39, $0xC  }
0xaa: {  	[tilespmem:$0x1FEE0] =	vst v2;
	v2 =	vshll.u32 v0, $0x3  }
0xab: {  	v8 =	vand.u32 $0xFFFF8000, v0;
	v2 =	vand.u32 $0x7FF8, v2  }
0xac: {  	v27 =	vor.u32 v8, v2;
	v2 =	vld [tilespmem:$0x1FC70]  }
0xad: {  	[tilespmem:s10+$0x80] =	vst v28  }
0xae: {  	[tilespmem:s10+$0x90] =	vst v30  }
0xaf: {  	[tilespmem:s10+$0xA0] =	vst v59  }
0xb0: {  	v40 =	vld [tilespmem:s12+$0x80]  }
0xb1: {  	[tilespmem:s10+$0xB0] =	vst v25;
	v25 =	vor.u32 v2, v19;
	v2 =	vld [tilespmem:$0x1FC80];
	_ =	sdelay $0x3  }
0xb2: {  	v8 =	vld [tilespmem:$0x1FC90]  }
0xb3: {  	v2 =	vor.u32 v2, v18;
	v18 =	vld [tilespmem:$0x1FCA0];
	_ =	sdelay $0x4  }
0xb4: {  	v19 =	vor.u32 v18, v8;
	v8 =	vld [tilespmem:$0x1FCB0]  }
0xb5: {  	v18 =	vld [tilespmem:$0x1FCC0];
	_ =	sdelay $0x1  }
0xb6: {  	[tilespmem:s12+$0xF0] =	vst v3  }
0xb7: {  	v56 =	vld [tilespmem:s12+$0x90];
	[tilespmem:s10+$0xC0] =	vst v41  }
0xb8: {  	v55 =	vld [tilespmem:s12+$0xA0]  }
0xb9: {  	v20 =	vor.u32 v18, v8;
	v8 =	vld [tilespmem:$0x1FCD0]  }
0xba: {  	v18 =	vld [tilespmem:$0x1FCE0];
	_ =	sdelay $0x3  }
0xbb: {  	v1 =	vshll.u32 v55, $0x3;
	v5 =	vand.u32 $0xFFFF8000, v55;
	v23 =	vshrl.u32 v55, $0xC;
	v55 =	vld [tilespmem:$0x1FD00]  }
0xbc: {  	v18 =	vor.u32 v18, v8;
	v8 =	vld [tilespmem:$0x1FCF0]  }
0xbd: {  	[tilespmem:s10+$0xD0] =	vst v60  }
0xbe: {  	v12 =	vand.u32 $0xFFFF8000, v50;
	v58 =	vld [tilespmem:s12+$0xB0];
	[tilespmem:s10+$0xE0] =	vst v29;
	v22 =	vshrl.u32 v0, $0xC;
	v0 =	vshrl.u32 v35, $0xC  }
0xbf: {  	v60 =	vand.u32 $0xFFFF8000, v45;
	v29 =	vshrl.u32 v56, $0xC;
	[tilespmem:$0x1FEF0] =	vst v0;
	v0 =	vshrl.u32 v48, $0xC  }
0xc0: {  	v45 =	vshll.u32 v56, $0x3;
	[tilespmem:$0x1FF00] =	vst v0;
	v0 =	vshrl.u32 v50, $0xC;
	v50 =	vand.u32 $0xFFFF8000, v56;
	v56 =	vld [tilespmem:$0x1FD20]  }
0xc1: {  	v32 =	vor.u32 v55, v8;
	v8 =	vld [tilespmem:$0x1FD10];
	_ =	sdelay $0x3  }
0xc2: {  	v13 =	vand.u32 $0xFFFF8000, v49;
	v41 =	vshrl.u32 v49, $0xC  }
0xc3: {  	v33 =	vshrl.u32 v52, $0xC;
	v49 =	vand.u32 $0xFFFF8000, v52;
	v52 =	vor.u32 v56, v8;
	v8 =	vld [tilespmem:$0x1FD30];
	_ =	sdelay $0x3  }
0xc4: {  	v26 =	vand.u32 $0xFFFF8000, v61  }
0xc5: {  	v26 =	vor.u32 v26, v8;
	v8 =	vld [tilespmem:$0x1FD40];
	_ =	sdelay $0x4  }
0xc6: {  	v56 =	vor.u32 v57, v8;
	v8 =	vld [tilespmem:$0x1FD50];
	_ =	sdelay $0x4  }
0xc7: {  	v55 =	vor.u32 v60, v8;
	v8 =	vld [tilespmem:$0x1FD60];
	_ =	sdelay $0x3  }
0xc8: {  	v21 =	vand.u32 $0xFFFF8000, v46  }
0xc9: {  	v57 =	vor.u32 v21, v8;
	v8 =	vld [tilespmem:$0x1FD70];
	_ =	sdelay $0x3  }
0xca: {  	v17 =	vand.u32 $0xFFFF8000, v39  }
0xcb: {  	v8 =	vor.u32 v17, v8  }
0xcc: {  	[tilespmem:$0x1FF30] =	vst v8;
	v8 =	vld [tilespmem:$0x1FD80];
	_ =	sdelay $0x3  }
0xcd: {  	v16 =	vand.u32 $0xFFFF8000, v35  }
0xce: {  	v8 =	vor.u32 v16, v8  }
0xcf: {  	[tilespmem:$0x1FF40] =	vst v8;
	v8 =	vld [tilespmem:$0x1FD90];
	_ =	sdelay $0x3  }
0xd0: {  	v15 =	vand.u32 $0xFFFF8000, v47  }
0xd1: {  	v34 =	vshrl.u32 v53, $0xC;
	v9 =	vand.u32 $0xFFFF8000, v53;
	v53 =	vor.u32 v15, v8;
	v8 =	vld [tilespmem:$0x1FDA0];
	_ =	sdelay $0x3  }
0xd2: {  	v14 =	vand.u32 $0xFFFF8000, v48  }
0xd3: {  	v16 =	vor.u32 v14, v8;
	v8 =	vld [tilespmem:$0x1FDB0];
	_ =	sdelay $0x3  }
0xd4: {  	v62 =	vshll.u32 v40, $0x3  }
0xd5: {  	v61 =	vand.u32 $0x7FF8, v62;
	v62 =	vand.u32 $0x7FF8, v45;
	v45 =	vor.u32 v13, v8;
	v8 =	vld [tilespmem:$0x1FDC0];
	_ =	sdelay $0x4  }
0xd6: {  	v43 =	vor.u32 v12, v8;
	v8 =	vld [tilespmem:$0x1FDD0];
	_ =	sdelay $0x3  }
0xd7: {  	v11 =	vand.u32 $0xFFFF8000, v37  }
0xd8: {  	v17 =	vor.u32 v11, v8;
	v8 =	vld [tilespmem:$0x1FDE0];
	_ =	sdelay $0x2  }
0xd9: {  	v59 =	vld [tilespmem:s12+$0xC0]  }
0xda: {  	v48 =	vand.u32 $0xFFFF8000, v51  }
0xdb: {  	v15 =	vor.u32 v48, v8;
	v8 =	vld [tilespmem:$0x1FDF0]  }
0xdc: {  	v10 =	vand.u32 $0xFFFF8000, v38  }
0xdd: {  	v7 =	vand.u32 $0xFFFF8000, v54;
	v63 =	vld [tilespmem:s12+$0xD0];
	v42 =	vand.u32 $0x7FF8, v1;
	v1 =	vshll.u32 v58, $0x3  }
0xde: {  	v3 =	vld [tilespmem:s12+$0xE0];
	v31 =	vand.u32 $0x7FF8, v1;
	v1 =	vshll.u32 v59, $0x3;
	[tilespmem:$0x1FF10] =	vst v0;
	v0 =	vshrl.u32 v51, $0xC  }
0xdf: {  	v39 =	vand.u32 $0x7FF8, v1;
	[tilespmem:$0x1FF20] =	vst v0;
	v0 =	vand.u32 $0xFFFF8000, v59;
	v14 =	vor.u32 v5, v42;
	v5 =	vld [tilespmem:$0x1FE80]  }
0xe0: {  	v28 =	vshrl.u32 v54, $0xC;
	v54 =	vor.u32 v10, v8;
	v10 =	vor.u32 v0, v39;
	v0 =	vld [tilespmem:$0x1FE30];
	_ =	sdelay $0x1  }
0xe1: {  	v1 =	vshll.u32 v63, $0x3  }
0xe2: {  	v36 =	vand.u32 $0x7FF8, v1;
	v1 =	vshll.u32 v3, $0x3;
	v8 =	vld [tilespmem:$0x1FE00]  }
0xe3: {  	v30 =	vand.u32 $0x7FF8, v1;
	v1 =	vand.u32 $0xFFFF8000, v63;
	v48 =	vand.u32 $0x7, v5;
	v5 =	vld [tilespmem:$0x1FE90]  }
0xe4: {  	v51 =	vor.u32 v1, v36;
	v1 =	vand.u32 $0x7, v0;
	v0 =	vld [tilespmem:$0x1FE40];
	_ =	sdelay $0x1  }
0xe5: {  	v21 =	vld [tilespmem:$0x1FF00]  }
0xe6: {  	v60 =	vor.u32 v49, v8;
	v8 =	vld [tilespmem:$0x1FE10]  }
0xe7: {  	v49 =	vand.u32 $0x7, v5;
	v5 =	vld [tilespmem:$0x1FEA0]  }
0xe8: {  	v42 =	vand.u32 $0x7, v0;
	v0 =	vld [tilespmem:$0x1FE50]  }
0xe9: {  	v41 =	vand.u32 $0x7, v41;
	v6 =	vand.u32 $0xFFFF8000, v40;
	v33 =	vand.u32 $0x7, v33  }
0xea: {  	v47 =	vshrl.u32 v47, $0xC;
	v24 =	vshrl.u32 v40, $0xC;
	v40 =	vand.u32 $0x7, v21;
	v21 =	vld [tilespmem:$0x1FF10]  }
0xeb: {  	v37 =	vshrl.u32 v37, $0xC;
	v47 =	vand.u32 $0x7, v47;
	v8 =	vor.u32 v9, v8;
	v9 =	vld [tilespmem:$0x1FE20]  }
0xec: {  	v44 =	vand.u32 $0xFFFF8000, v3;
	v46 =	vor.u32 v50, v62;
	v62 =	vand.u32 $0x7, v5;
	v5 =	vld [tilespmem:$0x1FEB0]  }
0xed: {  	v61 =	vor.u32 v6, v61;
	v50 =	vor.u32 v44, v30;
	v44 =	vand.u32 $0x7, v0;
	v0 =	vld [tilespmem:$0x1FE60]  }
0xee: {  	v4 =	vand.u32 $0xFFFF8000, v58;
	v58 =	vshrl.u32 v58, $0xC;
	v3 =	vshrl.u32 v3, $0xC;
	v12 =	vld [tilespmem:$0x1FEF0]  }
0xef: {  	v63 =	vshrl.u32 v63, $0xC;
	v35 =	vshrl.u32 v38, $0xC;
	v11 =	vor.u32 v4, v31;
	v4 =	vld [tilespmem:$0x1FE70]  }
0xf0: {  	v36 =	vand.u32 $0x7, v37;
	v37 =	vand.u32 $0x7, v35;
	v39 =	vand.u32 $0x7, v21;
	v21 =	vld [tilespmem:$0x1FF20]  }
0xf1: {  	v35 =	vand.u32 $0x7, v34;
	v34 =	vand.u32 $0x7, v28;
	v6 =	vand.u32 $0x7, v5;
	v5 =	vld [tilespmem:$0x1FEC0]  }
0xf2: {  	v28 =	vand.u32 $0x7, v24;
	v13 =	vor.u32 v7, v9;
	v7 =	vld [tilespmem:$0x1FEE0];
	v0 =	vand.u32 $0x7, v0  }
0xf3: {  	v30 =	vand.u32 $0x7, v29;
	v2 =	vor.u32 v42, v2;
	v42 =	vor.u32 v0, v20;
	v0 =	vld [tilespmem:$0x1FF30]  }
0xf4: {  	v29 =	vand.u32 $0x7, v23;
	v23 =	vand.u32 $0x7, v63;
	v59 =	vshrl.u32 v59, $0xC  }
0xf5: {  	v24 =	vand.u32 $0x7, v59;
	v31 =	vand.u32 $0x7, v22;
	v12 =	vand.u32 $0x7, v12  }
0xf6: {  	v4 =	vand.u32 $0x7, v4;
	v38 =	vand.u32 $0x7, v21;
	v21 =	vand.u32 $0x7, v3  }
0xf7: {  	s11 =	sadd.s32 $0x4, s11;
	v3 =	vor.u32 v31, v27;
	v9 =	vand.u32 $0x7, v5;
	v5 =	vld [tilespmem:$0x1FED0];
	v7 =	vand.u32 $0x7, v7  }
0xf8: {  	p0 =	slt.u32 s11, $0xC4;
	v32 =	vor.u32 v48, v32;
	[tilespmem:s12+$0xFFFFFF00] =	vst v3;
	v3 =	vor.u32 v44, v19;
	v19 =	vor.u32 v7, v0;
	v0 =	vld [tilespmem:$0x1FF40]  }
.Ltmp0:
0xf9: {  	v22 =	vand.u32 $0x7, v58;
	v48 =	vmovc v14;
	v14 =	vmovc v16;
	v31 =	vor.u32 v4, v18;
	v1 =	vor.u32 v1, v25;
	(pc) =	sbr.rel @p0 .LBB2_2-.Ltmp0, $4  }
0xfa: {  	v27 =	vor.u32 v49, v52;
	[tilespmem:s12+$0xFFFFFF10] =	vst v1;
	v1 =	vor.u32 v47, v53;
	v47 =	vmovc v61;
	v61 =	vmov v43  }
0xfb: {  	s10 =	smov.u32 s12;
	v49 =	vmovc v51;
	v51 =	vmov v15;
	v25 =	vor.u32 v62, v26;
	[tilespmem:s12+$0xFFFFFF20] =	vst v2;
	v26 =	vor.u32 v6, v56  }
0xfc: {  	[tilespmem:s10+$0xFFFFFF30] =	vst v3;
	v6 =	vmovc v50;
	v50 =	vmovc v8;
	v20 =	vor.u32 v9, v55;
	v9 =	vmov v11;
	v5 =	vand.u32 $0x7, v5  }
0xfd: {  	s12 =	sadd.s32 $0x200, s12;
	v11 =	vmovc v17;
	v18 =	vor.u32 v5, v57;
	v17 =	vor.u32 v12, v0;
	v12 =	vmovc v60;
	v60 =	vmov v45  }
0xfe: {  	[tilespmem:s10+$0xFFFFFF40] =	vst v42  }
0xff: {  	[tilespmem:s10+$0xFFFFFF50] =	vst v31  }
0x100: {  	[tilespmem:s10+$0xFFFFFF60] =	vst v32  }
0x101: {  	[tilespmem:s10+$0xFFFFFF70] =	vst v27  }
0x102: {  	[tilespmem:s10+$0xFFFFFF80] =	vst v25  }
0x103: {  	[tilespmem:s10+$0xFFFFFF90] =	vst v26  }
0x104: {  	[tilespmem:s10+$0xFFFFFFA0] =	vst v20  }
0x105: {  	[tilespmem:s10+$0xFFFFFFB0] =	vst v18  }
0x106: {  	[tilespmem:s10+$0xFFFFFFC0] =	vst v19  }
0x107: {  	[tilespmem:s10+$0xFFFFFFD0] =	vst v17  }
0x108: {  	v0 =	vor.u32 v40, v14;
	[tilespmem:s10+$0xFFFFFFE0] =	vst v1  }
0x109: {  	v43 =	vor.u32 v41, v60;
	[tilespmem:s10+$0xFFFFFFF0] =	vst v0  }
0x10a: {  	v44 =	vor.u32 v39, v61;
	[tilespmem:s10+$0x0] =	vst v43  }
0x10b: {  	v45 =	vor.u32 v36, v11;
	[tilespmem:s10+$0x10] =	vst v44  }
0x10c: {  	v52 =	vor.u32 v38, v51;
	[tilespmem:s10+$0x20] =	vst v45  }
0x10d: {  	v53 =	vor.u32 v37, v54;
	[tilespmem:s10+$0x30] =	vst v52  }
0x10e: {  	v54 =	vor.u32 v33, v12;
	[tilespmem:s10+$0x40] =	vst v53  }
0x10f: {  	v55 =	vor.u32 v35, v50;
	[tilespmem:s10+$0x50] =	vst v54  }
0x110: {  	v56 =	vor.u32 v34, v13;
	[tilespmem:s10+$0x60] =	vst v55  }
0x111: {  	v57 =	vor.u32 v28, v47;
	[tilespmem:s10+$0x70] =	vst v56  }
0x112: {  	v58 =	vor.u32 v30, v46;
	[tilespmem:s10+$0x80] =	vst v57  }
0x113: {  	v59 =	vor.u32 v29, v48;
	[tilespmem:s10+$0x90] =	vst v58  }
0x114: {  	v60 =	vor.u32 v22, v9;
	[tilespmem:s10+$0xA0] =	vst v59  }
0x115: {  	v61 =	vor.u32 v24, v10;
	[tilespmem:s10+$0xB0] =	vst v60  }
0x116: {  	v62 =	vor.u32 v23, v49;
	s9 =	sadd.s32 $0x1, s9;
	[tilespmem:s10+$0xC0] =	vst v61  }
0x117: {  	v63 =	vor.u32 v21, v6;
	[tilespmem:s10+$0xD0] =	vst v62;
	p0 =	sne.s32 s9, s5  }
.Ltmp1:
0x118: {  	[tilespmem:s10+$0xE0] =	vst v63;
	(pc) =	sbr.rel @p0 .LBB2_1-.Ltmp1, $4  }
0x119: {  	[hbm4b:s4+s2] =	stream.linear.scatter [tilespmem:s2], [sflag:$0x1], $0x6400, $0x38;
	[tilespmem:$0x6400] =	vst v63  }
0x11a: {  	_ =	swait.ge [sflag:s8], $0x6400  }
0x11b: {  	[sflag:s8] =	ssyncset.done $0x0  }
0x11c: {  	[sflag:s8] =	ssyncadd.s32 $0xFFFF9C00  }
0x11d: {  	_ =	sfence.sel $0x180000  }
0x11e: {  	[bflag:$0x0] =	sbarrier.arrive $0xFFFF  }
0x11f: {  	p0 =	sne.s32 s1, $0x0;
	_ =	strace $0x90000047  }
0x120: {  	s0 =	sadd.s32 @!p0 $0x100000, s0;
	[bflag:$0x2] =	sbarrier.arrive $0xFFFF  }
0x121: {  	[sflag:s0] =	ssyncadd.tile.s32 @!p0 $0x1;
	_ =	shalt  }
.Lfunc_end2:
_tile_overlayer_lowered:
.L_overlay_start_2:
0x122: {  	(tag) =	ssettag $0x2  }
0x123: {  	s0 =	rddreg [dreg:$0x0];
	s2 =	stileid.u32  }
0x124: {  	s1 =	rddreg [dreg:$0x1];
	p0 =	sne.s32 s2, $0x0  }
0x125: {  	s3 =	rddreg [dreg:$0x2];
	[bflag:$0x3] =	sbarrier.arrive $0xFFFF;
	s2 =	simm.s32 @!p0 $0x1C01  }
0x126: {  	[timem:s3], [sflag:s2] =	dma.local @!p0 [hbm:s0], s1  }
0x127: {  	s0 =	simm.s32 @!p0 $0x1  }
0x128: {  	_ =	swait.ge @!p0 [sflag:s0], s1  }
0x129: {  	s1 =	ssub.s32 @!p0 $0x0, s1;
	[sflag:s0] =	ssyncset.done @!p0 $0x0  }
0x12a: {  	[sflag:s0] =	ssyncadd.s32 @!p0 s1  }
0x12b: {  	[bflag:$0x3] =	sbarrier.arrive $0xFFFF  }
0x12c: {  	_ =	shalt  }

// kernel: kernel.9.cloned.1.call-start
scs
__scs_entry_jumppad:
0x0: {  	(pc) =	sbr.rel $0x88, $3  }
0x1: {  	(tag) =	ssettag $0x0;
	lr =	simm.s32 $0x1  }
0x2: {  	[smem:$0x3F99] =	sst lr;
	_ =	strace $0xD0000000  }
0x3: {  	_ = 	snop  }
0x4: {  	_ = 	snop  }
0x5: {  	_ = 	snop  }
0x6: {  	_ = 	snop  }
0x7: {  	_ = 	snop  }
__scs_overlays_trampoline_lowered:
0x8: {  	[smem:$0x3FA8] =	sst s0  }
0x9: {  	[smem:$0x3FA9] =	sst s1  }
0xa: {  	[smem:$0x3FAA] =	sst s2  }
0xb: {  	[smem:$0x3FAB] =	sst s3  }
0xc: {  	[smem:$0x3FAC] =	sst s4  }
0xd: {  	[smem:$0x3FAD] =	sst s5  }
0xe: {  	[smem:$0x3FAE] =	sst s6  }
0xf: {  	[smem:$0x3FAF] =	sst s7  }
0x10: {  	[smem:$0x3FB0] =	sst s8  }
0x11: {  	[smem:$0x3FB1] =	sst s9;
	s0 =	simm.s32 @!p0 $0x0  }
0x12: {  	s1 =	sld [smem:$0x3F97];
	s0 =	simm.s32 @p0 $0x1  }
0x13: {  	[smem:$0x3FB2] =	sst s0;
	s0 =	simm.s32 @!p1 $0x0  }
0x14: {  	s2 =	sld [smem:$0x3F96];
	s0 =	simm.s32 @p1 $0x1  }
0x15: {  	[smem:$0x3FB3] =	sst s0;
	s0 =	simm.s32 @!p2 $0x0  }
0x16: {  	s3 =	sld [smem:$0x3FDB];
	s0 =	simm.s32 @p2 $0x1  }
0x17: {  	s4 =	simm.s32 $0x1BF5;
	[smem:$0x3FB5] =	sst s0  }
0x18: {  	s0 =	sld [smem:$0x3F98];
	_ =	swait.ge [sflag:s4], $0x0  }
0x19: {  	s7 =	sld [smem:$0x3F99]  }
0x1a: {  	s8 =	sadd.s32 $0xFFFFE003, lr  }
0x1b: {  	s9 =	sadd.s32 $0xFFFFFEF7, lr;
	s5 =	simm.s32 $0xFFFFFFFF;
	p2 =	slt.u32 s8, $0xFFFFF086  }
0x1c: {  	p1 =	slt.u32 s9, $0xF7A;
	s5 =	simm.s32 @!p2 $0x0  }
0x1d: {  	s5 =	simm.s32 @p1 $0x1;
	p0 =	seq.s32 s7, s2  }
0x1e: {  	s7 =	smul.u32 @!p0 $0xF7A, s2;
	p2 =	seq.s32 @!p0 s5, $0x0  }
0x1f: {  	s9 =	smul.u32 $0xF7A, s1;
	s8 =	simm.s32 @!p0 $0x1BF5;
	p2 =	por !p2, p0  }
0x20: {  	[sflag:s8] =	ssyncset.s32 @!p0 $0xFFFFF086;
	s6 =	sadd.s32 @!p0 s3, s7;
	s7 =	simm.s32 @!p0 $0x108  }
0x21: {  	s3 =	sadd.s32 s3, s9;
	s6 =	sadd.s32 @!p0 $0x88, s6;
	s7 =	simm.s32 @p2 $0x1082  }
0x22: {  	[simem:s7], [sflag:s8] =	dma.local @!p0 [hbm:s6], $0xF7A  }
0x23: {  	s9 =	sor.u32 $0xD0000000, s2;
	s6 =	simm.s32 $0x108;
	_ =	swait.ge @!p0 [sflag:s8], $0x0  }
0x24: {  	s3 =	sadd.s32 $0x88, s3;
	s6 =	simm.s32 @!p1 $0x1082;
	[sflag:s4] =	ssyncset.s32 $0xFFFFF086  }
0x25: {  	[simem:s6], [sflag:s4] =	dma.local [hbm:s3], $0xF7A  }
0x26: {  	[smem:$0x3F99] =	sst s1;
	(tag) =	ssettag s2;
	_ =	strace s9  }
0x27: {  	s1 =	sld [smem:$0x3FA9]  }
0x28: {  	s2 =	sld [smem:$0x3FAA]  }
0x29: {  	s4 =	sld [smem:$0x3FAC]  }
0x2a: {  	p0 =	seq.s32 s5, $0x0;
	s5 =	sld [smem:$0x3FAD]  }
0x2b: {  	s6 =	sld [smem:$0x3FAE]  }
0x2c: {  	s7 =	sld [smem:$0x3FAF]  }
0x2d: {  	s3 =	simm.s32 $0x108;
	s8 =	sld [smem:$0x3FB0]  }
0x2e: {  	s3 =	simm.s32 @!p0 $0x1082;
	s9 =	sld [smem:$0x3FB1]  }
0x2f: {  	lr =	sadd.s32 s0, s3;
	s0 =	sld [smem:$0x3FA8]  }
0x30: {  	s3 =	sld [smem:$0x3FAB]  }
0x31: {  	[smem:$0x3FB4] =	sst s10  }
0x32: {  	s10 =	sld [smem:$0x3FB2];
	_ =	sdelay $0x3  }
0x33: {  	p0 =	seq.s32 s10, $0x1;
	s10 =	sld [smem:$0x3FB4];
	_ =	sdelay $0x3  }
0x34: {  	[smem:$0x3FB4] =	sst s10  }
0x35: {  	s10 =	sld [smem:$0x3FB3];
	_ =	sdelay $0x3  }
0x36: {  	p1 =	seq.s32 s10, $0x1;
	s10 =	sld [smem:$0x3FB4];
	_ =	sdelay $0x3  }
0x37: {  	[smem:$0x3FB4] =	sst s10  }
0x38: {  	s10 =	sld [smem:$0x3FB5]  }
0x39: {  	_ = 	snop;
	(pc) =	sbr.ind lr, $3  }
0x3a: {  	_ = 	snop  }
0x3b: {  	_ = 	snop  }
0x3c: {  	p2 =	seq.s32 s10, $0x1;
	s10 =	sld [smem:$0x3FB4]  }
0x3d: {  	_ =	shalt  }
0x3e: {  	_ =	shalt  }
0x3f: {  	_ =	shalt  }
0x40: {  	_ =	shalt  }
0x41: {  	_ =	shalt  }
0x42: {  	_ =	shalt  }
0x43: {  	_ =	shalt  }
0x44: {  	_ =	shalt  }
0x45: {  	_ =	shalt  }
0x46: {  	_ =	shalt  }
0x47: {  	_ =	shalt  }
0x48: {  	_ =	shalt  }
0x49: {  	_ =	shalt  }
0x4a: {  	_ =	shalt  }
0x4b: {  	_ =	shalt  }
0x4c: {  	_ =	shalt  }
0x4d: {  	_ =	shalt  }
0x4e: {  	_ =	shalt  }
0x4f: {  	_ =	shalt  }
0x50: {  	_ =	shalt  }
0x51: {  	_ =	shalt  }
0x52: {  	_ =	shalt  }
0x53: {  	_ =	shalt  }
0x54: {  	_ =	shalt  }
0x55: {  	_ =	shalt  }
0x56: {  	_ =	shalt  }
0x57: {  	_ =	shalt  }
0x58: {  	_ =	shalt  }
0x59: {  	_ =	shalt  }
0x5a: {  	_ =	shalt  }
0x5b: {  	_ =	shalt  }
0x5c: {  	_ =	shalt  }
0x5d: {  	_ =	shalt  }
0x5e: {  	_ =	shalt  }
0x5f: {  	_ =	shalt  }
0x60: {  	_ =	shalt  }
0x61: {  	_ =	shalt  }
0x62: {  	_ =	shalt  }
0x63: {  	_ =	shalt  }
0x64: {  	_ =	shalt  }
0x65: {  	_ =	shalt  }
0x66: {  	_ =	shalt  }
0x67: {  	_ =	shalt  }
0x68: {  	_ =	shalt  }
0x69: {  	_ =	shalt  }
0x6a: {  	_ =	shalt  }
0x6b: {  	_ =	shalt  }
0x6c: {  	_ =	shalt  }
0x6d: {  	_ =	shalt  }
0x6e: {  	_ =	shalt  }
0x6f: {  	_ =	shalt  }
0x70: {  	_ =	shalt  }
0x71: {  	_ =	shalt  }
0x72: {  	_ =	shalt  }
0x73: {  	_ =	shalt  }
0x74: {  	_ =	shalt  }
0x75: {  	_ =	shalt  }
0x76: {  	_ =	shalt  }
0x77: {  	_ =	shalt  }
0x78: {  	_ =	shalt  }
0x79: {  	_ =	shalt  }
0x7a: {  	_ =	shalt  }
0x7b: {  	_ =	shalt  }
0x7c: {  	_ =	shalt  }
0x7d: {  	_ =	shalt  }
0x7e: {  	_ =	shalt  }
0x7f: {  	_ =	shalt  }
0x80: {  	_ =	shalt  }
0x81: {  	_ =	shalt  }
0x82: {  	_ =	shalt  }
0x83: {  	_ =	shalt  }
0x84: {  	_ =	shalt  }
0x85: {  	_ =	shalt  }
0x86: {  	_ =	shalt  }
0x87: {  	_ =	shalt  }
.Lfunc_end0:
.L_simem_size_0:
called_computation.1_lowered:
.L_overlay_start_0:
0x88: {  	s2 =	sld [smem:$0x3FD9]  }
0x89: {  	s3 =	sld [smem:$0x3FFE];
	_ =	sdelay $0x1  }
0x8a: {  	s1 =	srdreg.scid  }
0x8b: {  	s0 =	sand.u32 $0x1, s1  }
0x8c: {  	s17 =	sshll.u32 s0, $0xA;
	s2 =	sadd.s32 s3, s2  }
0x8d: {  	s2 =	sadd.s32 s2, s17  }
0x8e: {  	[smem:$0x3FC0] =	sst s2  }
0x8f: {  	_ = 	snop  }
0x90: {  	s2 =	sld [smem:$0x3FD0];
	(tm) =	ssettm $0x1  }
0x91: {  	s18 =	sld [smem:$0x3FFB];
	_ =	sdelay $0x3  }
0x92: {  	_ =	strace s18  }
0x93: {  	s3 =	sld [smem:$0x3FFC];
	_ =	sdelay $0x3  }
0x94: {  	_ =	strace s3  }
0x95: {  	s3 =	sld [smem:$0x3FFD];
	_ =	sdelay $0x3  }
0x96: {  	_ =	strace s3  }
0x97: {  	_ =	strace $0x8FFFFFFF  }
0x98: {  	s19 =	sld [smem:$0x3FDB];
	_ =	sdelay $0x1  }
0x99: {  	s4 =	simm.s32 $_scs_section_size  }
0x9a: {  	s5 =	simm.s32 $_size__tile_overlayer_lowered;
	s6 =	simm.s32 $_tile_overlayer_lowered  }
0x9b: {  	s22 =	simm.s32 $0x1BFF;
	s21 =	sshll.u32 s6, $0x1;
	s3 =	sadd.s32 s4, s19  }
0x9c: {  	s7 =	simm.s32 $0x0;
	s20 =	sshll.u32 s5, $0x1;
	s5 =	sadd.s32 s21, s3  }
0x9d: {  	[timem:s7], [sflag:s22] =	dma.local [hbm:s5], s20  }
0x9e: {  	_ =	swait.ge [sflag:s22], s20  }
0x9f: {  	s4 =	ssub.s32 $0x0, s20;
	[sflag:s22] =	ssyncset.done $0x0  }
0xa0: {  	[sflag:s22] =	ssyncadd.s32 s4;
	_ =	sdelay $0x1  }
0xa1: {  	s23 =	simm.s32 $0x1B8B  }
0xa2: {  	_ =	swait.ge [sflag:s23], $0x1  }
0xa3: {  	[sflag:s23] =	ssyncset.done $0x0  }
0xa4: {  	s25 =	simm.s32 $0x1B8E;
	s24 =	sld [smem:$0x3FFE];
	[sflag:s23] =	ssyncadd.s32 $0xFFFFFFFF  }
0xa5: {  	s26 =	simm.s32 $execute0_lowered;
	[smem:$0x3FD2] =	sst s25  }
0xa6: {  	s5 =	sshll.u32 s26, $0x1;
	_ =	strace $0x80000049;
	[dreg:$0x1] =	wrdreg $0xFFFFFFFF  }
0xa7: {  	s28 =	simm.s32 $_size_execute0_lowered;
	s3 =	sadd.s32 s3, s5;
	[dreg:$0x0] =	wrdreg $0x0  }
0xa8: {  	s5 =	sshll.u32 s28, $0x1;
	[dreg:$0x2] =	wrdreg s3  }
0xa9: {  	[dreg:$0x3] =	wrdreg s5  }
0xaa: {  	[dreg:$0x4] =	wrdreg $0xC0  }
0xab: {  	_ =	task [dreg:s7], $0x5FFFF  }
0xac: {  	[dreg:$0x1] =	wrdreg $0xFFFFFFFF  }
0xad: {  	[dreg:$0x0] =	wrdreg $0x60  }
0xae: {  	[dreg:$0x2] =	wrdreg s24  }
0xaf: {  	[dreg:$0x3] =	wrdreg s2  }
0xb0: {  	[dreg:$0x4] =	wrdreg $0x9  }
0xb1: {  	_ =	task.clear_ibuf [dreg:s7], $0x5FFFF;
	_ =	strace $0x90000049  }
0xb2: {  	s29 =	simm.s32 $0x9;
	_ =	strace $0x8000004B  }
0xb3: {  	_ =	swait.ge [sflag:s29], $0x1  }
0xb4: {  	[sflag:s29] =	ssyncadd.s32 $0xFFFFFFFF  }
0xb5: {  	_ =	strace $0x9000004B  }
0xb6: {  	_ =	sfence  }
0xb7: {  	s30 =	sld [smem:$0x0];
	_ =	sdelay $0x2  }
0xb8: {  	s31 =	sshll.u32 s1, $0xD;
	s1 =	sshrl.u32 s1, $0x2  }
0xb9: {  	s3 =	sand.u32 $0x4000, s31;
	s1 =	sadd.s32 s1, s30  }
0xba: {  	s0 =	sor.u32 s3, s0;
	s1 =	sshll.u32 s1, $0x11  }
0xbb: {  	s0 =	sor.u32 s1, s0  }
0xbc: {  	s0 =	sadd.s32 $0x8F2B, s0  }
0xbd: {  	[sflag:s0] =	ssyncadd.remote.s32 $0x1  }
0xbe: {  	_ =	sfence.sel $0xFFFF  }
0xbf: {  	[dreg:$0x0] =	wrdreg $0xFFFFFFFF;
	(pc) =	sbr.abs _section_cstart, $3  }
0xc0: {  	[dreg:$0x1] =	wrdreg $0xFFFFFFFF  }
0xc1: {  	_ =	task.clear_ibuf [dreg:s7], $0x2FFFF;
	_ =	strace $0x9FFFFFFF  }
0xc2: {  	(tm) =	ssettm $0x7FFFFFFF  }
0xc3: {  	_ =	shalt  }
tec
execute0_lowered:
.L_overlay_start_1:
0x0: {  	(tag) =	ssettag $0x1  }
0x1: {  	s0 =	rddreg [dreg:$0x0]  }
0x2: {  	s1 =	srdreg.scid;
	s2 =	stileid.u32;
	s3 =	simm.s32 $0x0  }
0x3: {  	s8 =	simm.s32 $0x3;
	s9 =	simm.s32 $0xAC00;
	s10 =	simm.s32 $0x80  }
0x4: {  	s11 =	simm.s32 $0x6C00;
	s12 =	simm.s32 $0x7400;
	s13 =	simm.s32 $0x100  }
0x5: {  	s14 =	simm.s32 $0x7C00;
	s15 =	simm.s32 $0x180;
	s16 =	simm.s32 $0x8400  }
0x6: {  	s17 =	simm.s32 $0x200;
	s18 =	simm.s32 $0x8C00;
	s19 =	simm.s32 $0x280  }
0x7: {  	s20 =	simm.s32 $0x9400;
	s21 =	simm.s32 $0x300;
	s22 =	simm.s32 $0x9C00  }
0x8: {  	s23 =	simm.s32 $0x380;
	s24 =	simm.s32 $0xA400;
	s25 =	simm.s32 $0x1  }
0x9: {  	s26 =	simm.s32 $0x2;
	s1 =	sand.u32 $0x1, s1;
	s2 =	sshll.u32 s2, $0x1  }
0xa: {  	s28 =	simm.s32 $0x0;
	s2 =	sor.u32 s1, s2;
	s1 =	ssub.s32 $0x2, s1  }
0xb: {  	[smem:$0x7FF] =	sst s3;
	s4 =	smul.u32 $0xC80, s2;
	s31 =	sshrl.u32 s1, $0x1  }
0xc: {  	_ =	strace $0x8000004A;
	s2 =	sshll.u32 s2, $0x7;
	s1 =	ssub.s32 s1, s31  }
0xd: {  	s5 =	sadd.s32 s4, s0;
	s4 =	sadd.s32 $0x33800, s0;
	s0 =	sadd.s32 s2, s0  }
0xe: {  	v0 =	vimm.f32 $0.0e+00;
	s7 =	smax.u32 s1, $0x1;
	s5 =	sadd.s32 $0x1A800, s5;
	s6 =	sadd.s32 $0x1800, s0  }
.LBB2_1:
0xf: {  	[tilespmem:s3], [sflag:$0x3] =	stream.linear.gather [hbm4b:s5+s3], $0x6400, $0x38;
	[tilespmem:$0xAC10] =	vst v63  }
0x10: {  	_ =	swait.ge [sflag:s8], $0x6400  }
0x11: {  	[sflag:s8] =	ssyncset.done $0x0  }
0x12: {  	[sflag:s8] =	ssyncadd.s32 $0xFFFF9C00  }
0x13: {  	s0 =	rddreg [dreg:$0x1]  }
0x14: {  	[tilespmem:s9], [sflag:$0x3] =	stream.linear.gather [hbm4b:s0+s3], $0x10, $0x38;
	[tilespmem:$0xAC10] =	vst v63  }
0x15: {  	_ =	swait.ge [sflag:s8], $0x10  }
0x16: {  	[sflag:s8] =	ssyncset.done $0x0  }
0x17: {  	s0 =	simm.s32 $0x6440;
	[sflag:s8] =	ssyncadd.s32 $0xFFFFFFF0  }
0x18: {  	[tilespmem:s0+$0xFFFFFFC0] =	vst v0  }
0x19: {  	[tilespmem:s0+$0x30] =	vst v0  }
0x1a: {  	[tilespmem:s0+$0x20] =	vst v0  }
0x1b: {  	[tilespmem:s0+$0x10] =	vst v0  }
0x1c: {  	[tilespmem:s0+$0x0] =	vst v0  }
0x1d: {  	[tilespmem:s0+$0xFFFFFFF0] =	vst v0  }
0x1e: {  	s1 =	simm.s32 $0x0;
	[tilespmem:s0+$0xFFFFFFE0] =	vst v0  }
.LBB2_2:
0x1f: {  	s1 =	sadd.s32 $0x8, s1;
	[tilespmem:s0+$0xFFFFFFD0] =	vst v0;
	s0 =	sadd.s32 $0x80, s0  }
0x20: {  	[tilespmem:s0+$0xFFFFFFC0] =	vst v0;
	p0 =	slt.u32 s1, $0x78  }
0x21: {  	[tilespmem:s0+$0x30] =	vst v0  }
.Ltmp0:
0x22: {  	[tilespmem:s0+$0x20] =	vst v0;
	(pc) =	sbr.rel @p0 .LBB2_2-.Ltmp0, $4  }
0x23: {  	[tilespmem:s0+$0x10] =	vst v0  }
0x24: {  	[tilespmem:s0+$0x0] =	vst v0  }
0x25: {  	[tilespmem:s0+$0xFFFFFFF0] =	vst v0  }
0x26: {  	[tilespmem:s0+$0xFFFFFFE0] =	vst v0  }
0x27: {  	[tilespmem:s0+$0xFFFFFFD0] =	vst v0;
	s29 =	simm.s32 $0x0  }
0x28: {  	[tilespmem:s11], [sflag:$0x1] =	stream.indirect.gather [hbm4b:s4+s10], $0x10, s29, s10, $0xb8;
	[tilespmem:$0xAC10] =	vst v63  }
0x29: {  	_ = 	snop  }
0x2a: {  	[tilespmem:s12], [sflag:$0x1] =	stream.indirect.gather [hbm4b:s4+s10], $0x10, s10, s10, $0xb8;
	[tilespmem:$0xAC10] =	vst v63  }
0x2b: {  	_ = 	snop  }
0x2c: {  	[tilespmem:s14], [sflag:$0x1] =	stream.indirect.gather [hbm4b:s4+s10], $0x10, s13, s10, $0xb8;
	[tilespmem:$0xAC10] =	vst v63  }
0x2d: {  	_ = 	snop  }
0x2e: {  	[tilespmem:s16], [sflag:$0x1] =	stream.indirect.gather [hbm4b:s4+s10], $0x10, s15, s10, $0xb8;
	[tilespmem:$0xAC10] =	vst v63  }
0x2f: {  	_ = 	snop  }
0x30: {  	[tilespmem:s18], [sflag:$0x2] =	stream.indirect.gather [hbm4b:s4+s10], $0x10, s17, s10, $0xb8;
	[tilespmem:$0xAC10] =	vst v63  }
0x31: {  	_ = 	snop  }
0x32: {  	[tilespmem:s20], [sflag:$0x2] =	stream.indirect.gather [hbm4b:s4+s10], $0x10, s19, s10, $0xb8;
	[tilespmem:$0xAC10] =	vst v63  }
0x33: {  	_ = 	snop  }
0x34: {  	[tilespmem:s22], [sflag:$0x2] =	stream.indirect.gather [hbm4b:s4+s10], $0x10, s21, s10, $0xb8;
	[tilespmem:$0xAC10] =	vst v63  }
0x35: {  	_ = 	snop  }
0x36: {  	[tilespmem:s24], [sflag:$0x2] =	stream.indirect.gather [hbm4b:s4+s10], $0x10, s23, s10, $0xb8;
	[tilespmem:$0xAC10] =	vst v63  }
.LBB2_4:
0x37: {  	_ =	swait.ge [sflag:s25], $0x800  }
0x38: {  	[sflag:s25] =	ssyncset.done $0x0  }
0x39: {  	[sflag:s25] =	ssyncadd.s32 $0xFFFFF800  }
0x3a: {  	_ =	swait.ge [sflag:s25], $0x800  }
0x3b: {  	[sflag:s25] =	ssyncset.done $0x0  }
0x3c: {  	[sflag:s25] =	ssyncadd.s32 $0xFFFFF800  }
0x3d: {  	_ =	swait.ge [sflag:s25], $0x800  }
0x3e: {  	[sflag:s25] =	ssyncset.done $0x0  }
0x3f: {  	[sflag:s25] =	ssyncadd.s32 $0xFFFFF800  }
0x40: {  	_ =	swait.ge [sflag:s25], $0x800  }
0x41: {  	[sflag:s25] =	ssyncset.done $0x0  }
0x42: {  	s0 =	simm.s32 $0x7C00;
	[sflag:s25] =	ssyncadd.s32 $0xFFFFF800  }
0x43: {  	v1 =	vld [tilespmem:s0+$0xFFFFF030]  }
0x44: {  	v2 =	vld [tilespmem:s0+$0xFFFFF830]  }
0x45: {  	v3 =	vld [tilespmem:s0+$0x30]  }
0x46: {  	v4 =	vld [tilespmem:s0+$0x830]  }
0x47: {  	v6 =	vld [tilespmem:s0+$0x0]  }
0x48: {  	v5 =	vld [tilespmem:s0+$0xFFFFF010]  }
0x49: {  	v7 =	vld [tilespmem:s0+$0xFFFFF810]  }
0x4a: {  	v8 =	vld [tilespmem:s0+$0x800]  }
0x4b: {  	v1 =	vadd.f32 v2, v1;
	v2 =	vadd.f32 v4, v3;
	v3 =	vld [tilespmem:s0+$0x10]  }
0x4c: {  	v4 =	vld [tilespmem:s0+$0x810]  }
0x4d: {  	v9 =	vld [tilespmem:s0+$0xFFFFF020];
	v1 =	vadd.f32 v2, v1  }
0x4e: {  	s30 =	simm.s32 $0x6430;
	v10 =	vld [tilespmem:s0+$0xFFFFF820]  }
0x4f: {  	[tilespmem:s30+$0x0] =	vst.add.f32.msk $0xffff, v1  }
0x50: {  	v1 =	vld [tilespmem:s0+$0xFFFFF800]  }
0x51: {  	v2 =	vadd.f32 v7, v5;
	v5 =	vadd.f32 v4, v3;
	v3 =	vld [tilespmem:s0+$0x20]  }
0x52: {  	v4 =	vld [tilespmem:s0+$0x820]  }
0x53: {  	v7 =	vadd.f32 v5, v2;
	v5 =	vld [tilespmem:s0+$0xFFFFF000];
	_ =	sdelay $0x2  }
0x54: {  	s1 =	simm.s32 $0x0;
	s31 =	simm.s32 $0x6430;
	v2 =	vadd.f32 v8, v6;
	v6 =	vadd.f32 v10, v9;
	s0 =	simm.s32 $0x7C40;
	[tilespmem:s30+$0xFFFFFFE0] =	vst.add.f32.msk $0xffff, v7  }
.LBB2_5:
0x55: {  	v7 =	vld [tilespmem:s0+$0xFFFFF030];
	v3 =	vadd.f32 v4, v3  }
0x56: {  	v4 =	vld [tilespmem:s0+$0xFFFFF830];
	v1 =	vadd.f32 v1, v5  }
0x57: {  	v5 =	vld [tilespmem:s0+$0x30];
	v8 =	vadd.f32 v3, v6  }
0x58: {  	s1 =	sadd.s32 $0x4, s1;
	v3 =	vld [tilespmem:s0+$0x830];
	v6 =	vadd.f32 v2, v1  }
0x59: {  	p0 =	slt.u32 s1, $0x7C;
	v1 =	vld [tilespmem:s0+$0xFFFFF800]  }
0x5a: {  	v2 =	vld [tilespmem:s0+$0x0]  }
0x5b: {  	v9 =	vld [tilespmem:s0+$0x800]  }
0x5c: {  	v10 =	vld [tilespmem:s0+$0xFFFFF010]  }
0x5d: {  	v4 =	vadd.f32 v4, v7;
	v11 =	vld [tilespmem:s0+$0xFFFFF810];
	v3 =	vadd.f32 v3, v5  }
0x5e: {  	v5 =	vld [tilespmem:s0+$0x10]  }
0x5f: {  	v7 =	vld [tilespmem:s0+$0x810];
	v3 =	vadd.f32 v3, v4  }
0x60: {  	s30 =	sadd.s32 $0x40, s30;
	v2 =	vadd.f32 v9, v2;
	v9 =	vld [tilespmem:s0+$0xFFFFF020]  }
0x61: {  	[tilespmem:s30+$0x0] =	vst.add.f32.msk $0xffff, v3  }
0x62: {  	v10 =	vadd.f32 v11, v10;
	v11 =	vld [tilespmem:s0+$0xFFFFF820]  }
0x63: {  	v3 =	vld [tilespmem:s0+$0x20]  }
.Ltmp1:
0x64: {  	v7 =	vadd.f32 v7, v5;
	v4 =	vld [tilespmem:s0+$0x820];
	(pc) =	sbr.rel @p0 .LBB2_5-.Ltmp1, $4  }
0x65: {  	v5 =	vld [tilespmem:s0+$0xFFFFF000]  }
0x66: {  	v7 =	vadd.f32 v7, v10;
	[tilespmem:s31+$0xFFFFFFD0] =	vst.add.f32.msk $0xffff, v6  }
0x67: {  	v6 =	vadd.f32 v11, v9;
	[tilespmem:s31+$0xFFFFFFF0] =	vst.add.f32.msk $0xffff, v8;
	s31 =	smov.u32 s30  }
0x68: {  	s0 =	sadd.s32 $0x40, s0;
	[tilespmem:s30+$0xFFFFFFE0] =	vst.add.f32.msk $0xffff, v7  }
0x69: {  	_ = 	snop  }
0x6a: {  	v1 =	vadd.f32 v1, v5  }
0x6b: {  	v3 =	vadd.f32 v4, v3  }
0x6c: {  	v1 =	vadd.f32 v2, v1  }
0x6d: {  	s30 =	sshll.u32 s29, $0xC;
	p0 =	seq.s32 s29, $0x18;
	v2 =	vadd.f32 v3, v6  }
0x6e: {  	s0 =	sshrl.u32 @!p0 s30, $0x2;
	[tilespmem:s31+$0xFFFFFFD0] =	vst.add.f32.msk $0xffff, v1  }
0x6f: {  	s2 =	simm.s32 @!p0 $0x80;
	s1 =	sadd.s32 @!p0 $0x400, s0;
	[tilespmem:s31+$0xFFFFFFF0] =	vst.add.f32.msk $0xffff, v2;
	s31 =	simm.s32 @!p0 $0x6C00  }
0x70: {  	[tilespmem:s31], [sflag:$0x1] =	stream.indirect.gather @!p0 [hbm4b:s4+s2], $0x10, s1, s2, $0xb8;
	[tilespmem:$0xAC10] =	vst v63  }
0x71: {  	s1 =	sadd.s32 @!p0 $0x480, s0;
	s31 =	simm.s32 @!p0 $0x7400  }
0x72: {  	[tilespmem:s31], [sflag:$0x1] =	stream.indirect.gather @!p0 [hbm4b:s4+s2], $0x10, s1, s2, $0xb8;
	[tilespmem:$0xAC10] =	vst v63  }
0x73: {  	s1 =	sadd.s32 @!p0 $0x500, s0;
	s31 =	simm.s32 @!p0 $0x7C00  }
0x74: {  	[tilespmem:s31], [sflag:$0x1] =	stream.indirect.gather @!p0 [hbm4b:s4+s2], $0x10, s1, s2, $0xb8;
	[tilespmem:$0xAC10] =	vst v63  }
0x75: {  	s0 =	sadd.s32 @!p0 $0x580, s0;
	s1 =	simm.s32 @!p0 $0x8400  }
0x76: {  	[tilespmem:s1], [sflag:$0x1] =	stream.indirect.gather @!p0 [hbm4b:s4+s2], $0x10, s0, s2, $0xb8;
	[tilespmem:$0xAC10] =	vst v63  }
0x77: {  	_ =	swait.ge [sflag:s26], $0x800  }
0x78: {  	[sflag:s26] =	ssyncset.done $0x0  }
0x79: {  	[sflag:s26] =	ssyncadd.s32 $0xFFFFF800  }
0x7a: {  	_ =	swait.ge [sflag:s26], $0x800  }
0x7b: {  	[sflag:s26] =	ssyncset.done $0x0  }
0x7c: {  	[sflag:s26] =	ssyncadd.s32 $0xFFFFF800  }
0x7d: {  	_ =	swait.ge [sflag:s26], $0x800  }
0x7e: {  	[sflag:s26] =	ssyncset.done $0x0  }
0x7f: {  	[sflag:s26] =	ssyncadd.s32 $0xFFFFF800  }
0x80: {  	_ =	swait.ge [sflag:s26], $0x800  }
0x81: {  	[sflag:s26] =	ssyncset.done $0x0  }
0x82: {  	s2 =	simm.s32 $0xA430;
	[sflag:s26] =	ssyncadd.s32 $0xFFFFF800  }
0x83: {  	v1 =	vld [tilespmem:s2+$0xFFFFE800]  }
0x84: {  	v2 =	vld [tilespmem:s2+$0xFFFFF000]  }
0x85: {  	v3 =	vld [tilespmem:s2+$0xFFFFF800]  }
0x86: {  	v4 =	vld [tilespmem:s2+$0x0]  }
0x87: {  	v6 =	vld [tilespmem:s2+$0xFFFFF7D0]  }
0x88: {  	v5 =	vld [tilespmem:s2+$0xFFFFE7E0]  }
0x89: {  	v7 =	vld [tilespmem:s2+$0xFFFFEFE0]  }
0x8a: {  	v8 =	vld [tilespmem:s2+$0xFFFFFFD0]  }
0x8b: {  	v1 =	vadd.f32 v2, v1;
	v2 =	vadd.f32 v4, v3;
	v3 =	vld [tilespmem:s2+$0xFFFFF7E0]  }
0x8c: {  	v4 =	vld [tilespmem:s2+$0xFFFFFFE0]  }
0x8d: {  	v9 =	vld [tilespmem:s2+$0xFFFFE7F0];
	v1 =	vadd.f32 v2, v1  }
0x8e: {  	s31 =	simm.s32 $0x6400;
	v10 =	vld [tilespmem:s2+$0xFFFFEFF0]  }
0x8f: {  	[tilespmem:s31+$0x30] =	vst.add.f32.msk $0xffff, v1  }
0x90: {  	v1 =	vld [tilespmem:s2+$0xFFFFEFD0]  }
0x91: {  	v2 =	vadd.f32 v7, v5;
	v5 =	vadd.f32 v4, v3;
	v3 =	vld [tilespmem:s2+$0xFFFFF7F0]  }
0x92: {  	v4 =	vld [tilespmem:s2+$0xFFFFFFF0]  }
0x93: {  	v7 =	vadd.f32 v5, v2;
	v5 =	vld [tilespmem:s2+$0xFFFFE7D0];
	_ =	sdelay $0x2  }
0x94: {  	s0 =	simm.s32 $0x0;
	s1 =	simm.s32 $0x6400;
	v2 =	vadd.f32 v8, v6;
	v6 =	vadd.f32 v10, v9;
	s2 =	simm.s32 $0xA470;
	[tilespmem:s31+$0x10] =	vst.add.f32.msk $0xffff, v7  }
.LBB2_7:
0x95: {  	v7 =	vld [tilespmem:s2+$0xFFFFE800];
	v3 =	vadd.f32 v4, v3  }
0x96: {  	v4 =	vld [tilespmem:s2+$0xFFFFF000];
	v1 =	vadd.f32 v1, v5  }
0x97: {  	v5 =	vld [tilespmem:s2+$0xFFFFF800];
	v8 =	vadd.f32 v3, v6  }
0x98: {  	s0 =	sadd.s32 $0x4, s0;
	v3 =	vld [tilespmem:s2+$0x0];
	v6 =	vadd.f32 v2, v1  }
0x99: {  	p1 =	slt.u32 s0, $0x7C;
	v1 =	vld [tilespmem:s2+$0xFFFFEFD0]  }
0x9a: {  	v2 =	vld [tilespmem:s2+$0xFFFFF7D0]  }
0x9b: {  	v9 =	vld [tilespmem:s2+$0xFFFFFFD0]  }
0x9c: {  	v10 =	vld [tilespmem:s2+$0xFFFFE7E0]  }
0x9d: {  	v4 =	vadd.f32 v4, v7;
	v11 =	vld [tilespmem:s2+$0xFFFFEFE0];
	v3 =	vadd.f32 v3, v5  }
0x9e: {  	v5 =	vld [tilespmem:s2+$0xFFFFF7E0]  }
0x9f: {  	v7 =	vld [tilespmem:s2+$0xFFFFFFE0];
	v3 =	vadd.f32 v3, v4  }
0xa0: {  	s31 =	sadd.s32 $0x40, s31;
	v2 =	vadd.f32 v9, v2;
	v9 =	vld [tilespmem:s2+$0xFFFFE7F0]  }
0xa1: {  	[tilespmem:s31+$0x30] =	vst.add.f32.msk $0xffff, v3  }
0xa2: {  	v10 =	vadd.f32 v11, v10;
	v11 =	vld [tilespmem:s2+$0xFFFFEFF0]  }
0xa3: {  	v3 =	vld [tilespmem:s2+$0xFFFFF7F0]  }
.Ltmp2:
0xa4: {  	v7 =	vadd.f32 v7, v5;
	v4 =	vld [tilespmem:s2+$0xFFFFFFF0];
	(pc) =	sbr.rel @p1 .LBB2_7-.Ltmp2, $4  }
0xa5: {  	v5 =	vld [tilespmem:s2+$0xFFFFE7D0]  }
0xa6: {  	v7 =	vadd.f32 v7, v10;
	[tilespmem:s1+$0x0] =	vst.add.f32.msk $0xffff, v6  }
0xa7: {  	v6 =	vadd.f32 v11, v9;
	[tilespmem:s1+$0x20] =	vst.add.f32.msk $0xffff, v8;
	s1 =	smov.u32 s31  }
0xa8: {  	s2 =	sadd.s32 $0x40, s2;
	[tilespmem:s31+$0x10] =	vst.add.f32.msk $0xffff, v7  }
0xa9: {  	_ = 	snop  }
0xaa: {  	v1 =	vadd.f32 v1, v5  }
.Ltmp3:
0xab: {  	v3 =	vadd.f32 v4, v3;
	(pc) =	sbr.rel @p0 .LBB2_10-.Ltmp3, $4  }
0xac: {  	v1 =	vadd.f32 v2, v1  }
0xad: {  	v2 =	vadd.f32 v3, v6  }
0xae: {  	[tilespmem:s1+$0x0] =	vst.add.f32.msk $0xffff, v1  }
0xaf: {  	[tilespmem:s1+$0x20] =	vst.add.f32.msk $0xffff, v2  }
0xb0: {  	s0 =	sshrl.u32 s30, $0x2  }
0xb1: {  	s1 =	sadd.s32 $0x600, s0  }
0xb2: {  	[tilespmem:s18], [sflag:$0x2] =	stream.indirect.gather [hbm4b:s4+s10], $0x10, s1, s10, $0xb8;
	[tilespmem:$0xAC10] =	vst v63  }
0xb3: {  	s30 =	sadd.s32 $0x680, s0  }
0xb4: {  	[tilespmem:s20], [sflag:$0x2] =	stream.indirect.gather [hbm4b:s4+s10], $0x10, s30, s10, $0xb8;
	[tilespmem:$0xAC10] =	vst v63  }
.Ltmp4:
0xb5: {  	_ = 	snop;
	(pc) =	sbr.rel .LBB2_4-.Ltmp4, $4  }
0xb6: {  	s31 =	sadd.s32 $0x700, s0  }
0xb7: {  	[tilespmem:s22], [sflag:$0x2] =	stream.indirect.gather [hbm4b:s4+s10], $0x10, s31, s10, $0xb8;
	[tilespmem:$0xAC10] =	vst v63  }
0xb8: {  	s29 =	sadd.s32 $0x1, s29;
	s0 =	sadd.s32 $0x780, s0  }
0xb9: {  	[tilespmem:s24], [sflag:$0x2] =	stream.indirect.gather [hbm4b:s4+s10], $0x10, s0, s10, $0xb8;
	[tilespmem:$0xAC10] =	vst v63  }
.LBB2_10:
0xba: {  	s29 =	simm.s32 $0x6440;
	v1 =	vld [tilespmem:$0xAC00]  }
0xbb: {  	v4 =	vld [tilespmem:s29+$0x30]  }
0xbc: {  	v6 =	vld [tilespmem:s29+$0xFFFFFFD0]  }
0xbd: {  	v8 =	vld [tilespmem:s29+$0xFFFFFFE0]  }
0xbe: {  	v5 =	vld [tilespmem:s29+$0xFFFFFFF0]  }
0xbf: {  	v3 =	vld [tilespmem:s29+$0x0]  }
0xc0: {  	v2 =	vld [tilespmem:s29+$0x10];
	v9 =	vadd.f32 v4, v1  }
0xc1: {  	v4 =	vld [tilespmem:s29+$0x20];
	v7 =	vadd.f32 v6, v1  }
0xc2: {  	s0 =	simm.s32 $0x0;
	s1 =	simm.s32 $0x64C0;
	v6 =	vld [tilespmem:s29+$0xFFFFFFC0];
	v8 =	vadd.f32 v8, v1;
	[tilespmem:s29+$0x30] =	vst v9  }
.LBB2_11:
0xc3: {  	v9 =	vld [tilespmem:s1+$0x30];
	s0 =	sadd.s32 $0x8, s0;
	[tilespmem:s29+$0xFFFFFFD0] =	vst v7;
	v5 =	vadd.f32 v5, v1  }
0xc4: {  	v7 =	vld [tilespmem:s1+$0xFFFFFFD0];
	p0 =	slt.u32 s0, $0x78;
	[tilespmem:s29+$0xFFFFFFE0] =	vst v8;
	v3 =	vadd.f32 v3, v1  }
0xc5: {  	v8 =	vld [tilespmem:s1+$0xFFFFFFE0];
	[tilespmem:s29+$0xFFFFFFF0] =	vst v5;
	v2 =	vadd.f32 v2, v1  }
.Ltmp5:
0xc6: {  	v5 =	vld [tilespmem:s1+$0xFFFFFFF0];
	[tilespmem:s29+$0x0] =	vst v3;
	v4 =	vadd.f32 v4, v1;
	(pc) =	sbr.rel @p0 .LBB2_11-.Ltmp5, $4  }
0xc7: {  	v3 =	vld [tilespmem:s1+$0x0];
	v6 =	vadd.f32 v6, v1;
	[tilespmem:s29+$0x10] =	vst v2  }
0xc8: {  	v2 =	vld [tilespmem:s1+$0x10];
	v9 =	vadd.f32 v9, v1;
	[tilespmem:s29+$0x20] =	vst v4  }
0xc9: {  	v7 =	vadd.f32 v7, v1;
	v4 =	vld [tilespmem:s1+$0x20];
	[tilespmem:s29+$0xFFFFFFC0] =	vst v6;
	s29 =	smov.u32 s1  }
0xca: {  	s1 =	sadd.s32 $0x80, s1;
	v6 =	vld [tilespmem:s29+$0xFFFFFFC0];
	v8 =	vadd.f32 v8, v1;
	[tilespmem:s29+$0x30] =	vst v9  }
0xcb: {  	[tilespmem:s29+$0xFFFFFFD0] =	vst v7;
	v5 =	vadd.f32 v5, v1  }
0xcc: {  	[tilespmem:s29+$0xFFFFFFE0] =	vst v8;
	v3 =	vadd.f32 v3, v1  }
0xcd: {  	[tilespmem:s29+$0xFFFFFFF0] =	vst v5;
	v2 =	vadd.f32 v2, v1  }
0xce: {  	[tilespmem:s29+$0x0] =	vst v3;
	v3 =	vadd.f32 v4, v1  }
0xcf: {  	v1 =	vadd.f32 v6, v1;
	[tilespmem:s29+$0x10] =	vst v2  }
0xd0: {  	s0 =	simm.s32 $0x6400;
	[tilespmem:s29+$0x20] =	vst v3  }
0xd1: {  	s1 =	simm.s32 $0x1;
	s2 =	simm.s32 $0x6410;
	[tilespmem:s29+$0xFFFFFFC0] =	vst v1;
	s29 =	sadd.s32 $0x0, s6  }
.LBB2_13:
0xd2: {  	[hbm4b:s29+s3] =	stream.linear.scatter [tilespmem:s0], [sflag:$0x3], $0x2, $0x38;
	[tilespmem:$0xAC10] =	vst v63  }
0xd3: {  	s29 =	smov.u32 s1;
	s0 =	smov.u32 s2;
	p0 =	sne.s32 s1, $0x7F  }
.Ltmp6:
0xd4: {  	s1 =	sadd.s32 $0x1, s1;
	(pc) =	sbr.rel @p0 .LBB2_13-.Ltmp6, $2  }
0xd5: {  	_ =	sdelay $0x2  }
0xd6: {  	s2 =	sadd.s32 $0x10, s2;
	s29 =	sadd.s32 s29, s6  }
0xd7: {  	s28 =	sadd.s32 $0x1, s28  }
0xd8: {  	p0 =	sne.s32 s28, s7  }
.Ltmp7:
0xd9: {  	_ = 	snop;
	(pc) =	sbr.rel @p0 .LBB2_1-.Ltmp7, $4  }
0xda: {  	[hbm4b:s29+s3] =	stream.linear.scatter [tilespmem:s0], [sflag:$0x3], $0x2, $0x38;
	[tilespmem:$0xAC10] =	vst v63  }
0xdb: {  	_ =	swait.ge [sflag:s8], $0x100  }
0xdc: {  	[sflag:s8] =	ssyncset.done $0x0  }
0xdd: {  	[sflag:s8] =	ssyncadd.s32 $0xFFFFFF00  }
0xde: {  	_ =	sfence.sel $0x180000  }
0xdf: {  	[bflag:$0x0] =	sbarrier.arrive $0xFFFF  }
0xe0: {  	_ =	strace $0x9000004A  }
0xe1: {  	s0 =	stileid.u32;
	[bflag:$0x2] =	sbarrier.arrive $0xFFFF  }
0xe2: {  	p0 =	sne.s32 s0, $0x0;
	s0 =	rddreg [dreg:$0x2]  }
0xe3: {  	s0 =	sadd.s32 @!p0 $0x100000, s0  }
0xe4: {  	[sflag:s0] =	ssyncadd.tile.s32 @!p0 $0x1;
	_ =	shalt  }
.Lfunc_end2:
_tile_overlayer_lowered:
.L_overlay_start_2:
0xe5: {  	(tag) =	ssettag $0x2  }
0xe6: {  	s0 =	rddreg [dreg:$0x0];
	s2 =	stileid.u32  }
0xe7: {  	s1 =	rddreg [dreg:$0x1];
	p0 =	sne.s32 s2, $0x0  }
0xe8: {  	s3 =	rddreg [dreg:$0x2];
	[bflag:$0x3] =	sbarrier.arrive $0xFFFF;
	s2 =	simm.s32 @!p0 $0x1C03  }
0xe9: {  	[timem:s3], [sflag:s2] =	dma.local @!p0 [hbm:s0], s1  }
0xea: {  	s0 =	simm.s32 @!p0 $0x3  }
0xeb: {  	_ =	swait.ge @!p0 [sflag:s0], s1  }
0xec: {  	s1 =	ssub.s32 @!p0 $0x0, s1;
	[sflag:s0] =	ssyncset.done @!p0 $0x0  }
0xed: {  	[sflag:s0] =	ssyncadd.s32 @!p0 s1  }
0xee: {  	[bflag:$0x3] =	sbarrier.arrive $0xFFFF  }
0xef: {  	_ =	shalt  }

</sc_bundles>
